<compile_context>
chip_gen: v7x
topology: tpu7x:2x2x1
jax: 0.10.2.dev20260603
libtpu: 0.0.44.dev20260713+nightly
codegen_flags: <defaults>
</compile_context>

<pallas_src>
import functools

import jax
import jax.numpy as jnp
from jax import lax
from jax.experimental import pallas as pl
from jax.experimental.pallas import tpu as pltpu
from jax.experimental.pallas import tpu_sc as plsc

NC = 2
NS = 16
NW = NC * NS

GROUP = 128
NBUF = 8


def _body(idx_hbm, table_hbm, out_hbm, idx_v, rows_v, gsem, ssem,
          *, gpw, rpw, steps):
    c = lax.axis_index("c")
    s = lax.axis_index("s")
    wid = c * NS + s
    gbase = wid * gpw
    rbase = wid * rpw

    pltpu.sync_copy(idx_hbm.at[pl.ds(gbase, gpw)], idx_v)

    def gather(g, j):
        return pltpu.make_async_copy(
            table_hbm.at[idx_v.at[g]], rows_v.at[j], gsem.at[j])

    def scatter(g, j):
        off = pl.multiple_of(rbase + g * GROUP, GROUP)
        return pltpu.make_async_copy(
            rows_v.at[j], out_hbm.at[pl.ds(off, GROUP)], ssem.at[j])

    for j in range(NBUF):
        gather(j, j).start()

    def loop_body(k, carry):
        g0 = k * NBUF
        for j in range(NBUF):
            g = g0 + j
            gather(g, j).wait()
            scatter(g, j).start()
        for j in range(NBUF):
            gn = g0 + NBUF + j
            scatter(g0 + j, j).wait()
            gather(gn, j).start()
        return carry

    lax.fori_loop(0, steps // NBUF - 1, loop_body, 0)

    g0 = steps - NBUF
    for j in range(NBUF):
        g = g0 + j
        gather(g, j).wait()
        scatter(g, j).start()
    for j in range(NBUF):
        scatter(g0 + j, j).wait()


def kernel(word_batch, table):
    b, sq = word_batch.shape
    n = b * sq
    d = table.shape[1]
    rpw = n // NW
    steps = rpw // GROUP
    gpw = steps

    idx = word_batch.reshape(n // GROUP, GROUP).astype(jnp.int32)

    mesh = plsc.VectorSubcoreMesh(core_axis_name="c", subcore_axis_name="s")
    body = functools.partial(_body, gpw=gpw, rpw=rpw, steps=steps)
    out = pl.kernel(
        body,
        out_type=jax.ShapeDtypeStruct((n, d), jnp.float32),
        mesh=mesh,
        scratch_types=[
            pltpu.VMEM((gpw, GROUP), jnp.int32),
            pltpu.VMEM((NBUF, GROUP, d), jnp.float32),
            pltpu.SemaphoreType.DMA((NBUF,)),
            pltpu.SemaphoreType.DMA((NBUF,)),
        ],
        compiler_params=pltpu.CompilerParams(use_tc_tiling_on_sc=False),
    )(idx, table)
    return out.reshape(b, sq, d)

# --- scband reference (transcript-rebuilt; emitter-appended) ---
"""Pipeline reference for scband-embedding-11295763988833 (READ-ONLY COPY).

The authoritative reference and input builder live on the scoring server;
editing this copy changes nothing except your own understanding.
"""

import jax, jax.numpy as jnp
import numpy as np

VOCAB = 1000000
EMBED_DIM = 64
BATCH = 4096
SEQ = 200


def setup_inputs(seed: int = 0) -> dict:
    key = jax.random.key(seed)
    k_idx, k_tab = jax.random.split(key)
    # glove table loaded from .npy, then two zero rows vstacked (per load_embedding)
    base = jax.random.normal(k_tab, (VOCAB, EMBED_DIM), dtype=jnp.float32)
    table = jnp.vstack([base, jnp.zeros((2, EMBED_DIM), dtype=jnp.float32)])  # [VOCAB+2, EMBED_DIM]
    word_batch = jax.random.randint(k_idx, (BATCH, SEQ), 0, VOCAB + 2, dtype=jnp.int64 if jax.config.jax_enable_x64 else jnp.int32)
    return {"word_batch": word_batch, "table": table}


def reference(word_batch, table):
    # embedding_type == 'glove': plain nn.Embedding lookup (frozen pretrained table)
    emb = jnp.take(table, word_batch, axis=0)  # [BATCH, SEQ, EMBED_DIM]
    return emb

if __name__ == "__main__":
    import jax
    _d = setup_inputs()
    print(jax.jit(kernel)(*tuple(_d.values())))

</pallas_src>

<mosaic_0001>
#map = affine_map<(d0, d1) -> (0, 0)>
module attributes {stable_mosaic.version = 14 : i64} {
  func.func @_body(%arg0: i32, %arg1: i32, %arg2: memref<6400x128xi32, #tpu.memory_space<hbm>>, %arg3: memref<1000002x64xf32, #tpu.memory_space<hbm>>, %arg4: memref<819200x64xf32, #tpu.memory_space<hbm>>, %arg5: memref<200x128xi32, #tpu.memory_space<vmem>>, %arg6: memref<8x128x64xf32, #tpu.memory_space<vmem>>, %arg7: memref<8x!tpu.dma_semaphore, #tpu.memory_space<semaphore_mem>>, %arg8: memref<8x!tpu.dma_semaphore, #tpu.memory_space<semaphore_mem>>) attributes {dimension_semantics = [#tpu.dimension_semantics<core_parallel>, #tpu.dimension_semantics<subcore_parallel>], iteration_bounds = array<i64: 2, 16>, scalar_prefetch = 0 : i64, scratch_operands = 4 : i64, tpu.core_type = #tpu.core_type<sc_vector_subcore>, window_params = [{transform_indices = #map}, {transform_indices = #map}, {transform_indices = #map}]} {
    %mul3A = arith.constant 16 : i32
    %mul3A_0 = arith.muli %arg0, %mul3A : i32
    %add3A = arith.addi %mul3A_0, %arg1 : i32
    %mul3A_1 = arith.constant 200 : i32
    %mul3A_2 = arith.muli %add3A, %mul3A_1 : i32
    %mul3A_3 = arith.constant 25600 : i32
    %mul3A_4 = arith.muli %add3A, %mul3A_3 : i32
    "tpu.region"() ({
      %run_scoped3A = tpu.sem_alloc : memref<!tpu.dma_semaphore, #tpu.memory_space<semaphore_mem>>
      %dma_start3A_551 = arith.constant 0 : i32
      %dma_start3A_552 = tpu.memref_slice %arg2[%mul3A_2, %dma_start3A_551] : memref<6400x128xi32, #tpu.memory_space<hbm>> -> memref<200x128xi32, #tpu.memory_space<hbm>>
      %dma_start3A_553 = arith.constant 0 : i32
      %dma_start3A_554 = tpu.memref_slice %arg2[%mul3A_2, %dma_start3A_553] : memref<6400x128xi32, #tpu.memory_space<hbm>> -> memref<200x128xi32, #tpu.memory_space<hbm>>
      tpu.enqueue_dma source(%dma_start3A_554 : memref<200x128xi32, #tpu.memory_space<hbm>>) target(%arg5 : memref<200x128xi32, #tpu.memory_space<vmem>>) target_semaphore(%run_scoped3A : memref<!tpu.dma_semaphore, #tpu.memory_space<semaphore_mem>>)
      %dma_wait3A_555 = arith.constant 0 : i32
      %dma_wait3A_556 = tpu.memref_slice %arg2[%mul3A_2, %dma_wait3A_555] : memref<6400x128xi32, #tpu.memory_space<hbm>> -> memref<200x128xi32, #tpu.memory_space<hbm>>
      %dma_wait3A_557 = arith.constant 0 : i32
      %dma_wait3A_558 = tpu.memref_slice %arg2[%mul3A_2, %dma_wait3A_557] : memref<6400x128xi32, #tpu.memory_space<hbm>> -> memref<200x128xi32, #tpu.memory_space<hbm>>
      tpu.wait_dma2 semaphore(%run_scoped3A : memref<!tpu.dma_semaphore, #tpu.memory_space<semaphore_mem>>) src(%dma_wait3A_558 : memref<200x128xi32, #tpu.memory_space<hbm>>) dst(%arg5 : memref<200x128xi32, #tpu.memory_space<vmem>>)
      tpu.yield
    }) : () -> ()
    %dma_start3A = arith.constant 0 : i32
    %dma_start3A_5 = arith.constant 0 : i32
    %dma_start3A_6 = arith.constant 0 : i32
    %dma_start3A_7 = arith.constant 0 : i32
    %dma_start3A_8 = arith.constant 0 : i32
    %dma_start3A_9 = tpu.memref_slice %arg6[%dma_start3A_5, %dma_start3A_7, %dma_start3A_8] : memref<8x128x64xf32, #tpu.memory_space<vmem>> -> memref<1x128x64xf32, #tpu.memory_space<vmem>>
    %dma_start3A_10 = tpu.memref_squeeze %dma_start3A_9 : memref<1x128x64xf32, #tpu.memory_space<vmem>> -> memref<128x64xf32, #tpu.memory_space<vmem>>
    %dma_start3A_11 = arith.constant 0 : i32
    %dma_start3A_12 = tpu.memref_slice %arg5[%dma_start3A, %dma_start3A_11] : memref<200x128xi32, #tpu.memory_space<vmem>> -> memref<1x128xi32, #tpu.memory_space<vmem>>
    %dma_start3A_13 = tpu.memref_squeeze %dma_start3A_12 : memref<1x128xi32, #tpu.memory_space<vmem>> -> memref<128xi32, #tpu.memory_space<vmem>>
    %dma_start3A_14 = arith.constant 0 : i32
    %dma_start3A_15 = arith.constant 0 : i32
    %dma_start3A_16 = tpu.memref_slice %arg3[%dma_start3A_14, %dma_start3A_15] : memref<1000002x64xf32, #tpu.memory_space<hbm>> -> memref<1000002x64xf32, #tpu.memory_space<hbm>>
    %dma_start3A_17 = tpu.memref_slice %arg7[%dma_start3A_6] : memref<8x!tpu.dma_semaphore, #tpu.memory_space<semaphore_mem>> -> memref<1x!tpu.dma_semaphore, #tpu.memory_space<semaphore_mem>>
    %dma_start3A_18 = tpu.memref_squeeze %dma_start3A_17 : memref<1x!tpu.dma_semaphore, #tpu.memory_space<semaphore_mem>> -> memref<!tpu.dma_semaphore, #tpu.memory_space<semaphore_mem>>
    tpu.enqueue_indirect_dma source(%dma_start3A_16 : memref<1000002x64xf32, #tpu.memory_space<hbm>>) target(%dma_start3A_10 : memref<128x64xf32, #tpu.memory_space<vmem>>) offsets(%dma_start3A_13 : memref<128xi32, #tpu.memory_space<vmem>>) semaphore(%dma_start3A_18 : memref<!tpu.dma_semaphore, #tpu.memory_space<semaphore_mem>>)
    %dma_start3A_19 = arith.constant 1 : i32
    %dma_start3A_20 = arith.constant 1 : i32
    %dma_start3A_21 = arith.constant 1 : i32
    %dma_start3A_22 = arith.constant 0 : i32
    %dma_start3A_23 = arith.constant 0 : i32
    %dma_start3A_24 = tpu.memref_slice %arg6[%dma_start3A_20, %dma_start3A_22, %dma_start3A_23] : memref<8x128x64xf32, #tpu.memory_space<vmem>> -> memref<1x128x64xf32, #tpu.memory_space<vmem>>
    %dma_start3A_25 = tpu.memref_squeeze %dma_start3A_24 : memref<1x128x64xf32, #tpu.memory_space<vmem>> -> memref<128x64xf32, #tpu.memory_space<vmem>>
    %dma_start3A_26 = arith.constant 0 : i32
    %dma_start3A_27 = tpu.memref_slice %arg5[%dma_start3A_19, %dma_start3A_26] : memref<200x128xi32, #tpu.memory_space<vmem>> -> memref<1x128xi32, #tpu.memory_space<vmem>>
    %dma_start3A_28 = tpu.memref_squeeze %dma_start3A_27 : memref<1x128xi32, #tpu.memory_space<vmem>> -> memref<128xi32, #tpu.memory_space<vmem>>
    %dma_start3A_29 = arith.constant 0 : i32
    %dma_start3A_30 = arith.constant 0 : i32
    %dma_start3A_31 = tpu.memref_slice %arg3[%dma_start3A_29, %dma_start3A_30] : memref<1000002x64xf32, #tpu.memory_space<hbm>> -> memref<1000002x64xf32, #tpu.memory_space<hbm>>
    %dma_start3A_32 = tpu.memref_slice %arg7[%dma_start3A_21] : memref<8x!tpu.dma_semaphore, #tpu.memory_space<semaphore_mem>> -> memref<1x!tpu.dma_semaphore, #tpu.memory_space<semaphore_mem>>
    %dma_start3A_33 = tpu.memref_squeeze %dma_start3A_32 : memref<1x!tpu.dma_semaphore, #tpu.memory_space<semaphore_mem>> -> memref<!tpu.dma_semaphore, #tpu.memory_space<semaphore_mem>>
    tpu.enqueue_indirect_dma source(%dma_start3A_31 : memref<1000002x64xf32, #tpu.memory_space<hbm>>) target(%dma_start3A_25 : memref<128x64xf32, #tpu.memory_space<vmem>>) offsets(%dma_start3A_28 : memref<128xi32, #tpu.memory_space<vmem>>) semaphore(%dma_start3A_33 : memref<!tpu.dma_semaphore, #tpu.memory_space<semaphore_mem>>)
    %dma_start3A_34 = arith.constant 2 : i32
    %dma_start3A_35 = arith.constant 2 : i32
    %dma_start3A_36 = arith.constant 2 : i32
    %dma_start3A_37 = arith.constant 0 : i32
    %dma_start3A_38 = arith.constant 0 : i32
    %dma_start3A_39 = tpu.memref_slice %arg6[%dma_start3A_35, %dma_start3A_37, %dma_start3A_38] : memref<8x128x64xf32, #tpu.memory_space<vmem>> -> memref<1x128x64xf32, #tpu.memory_space<vmem>>
    %dma_start3A_40 = tpu.memref_squeeze %dma_start3A_39 : memref<1x128x64xf32, #tpu.memory_space<vmem>> -> memref<128x64xf32, #tpu.memory_space<vmem>>
    %dma_start3A_41 = arith.constant 0 : i32
    %dma_start3A_42 = tpu.memref_slice %arg5[%dma_start3A_34, %dma_start3A_41] : memref<200x128xi32, #tpu.memory_space<vmem>> -> memref<1x128xi32, #tpu.memory_space<vmem>>
    %dma_start3A_43 = tpu.memref_squeeze %dma_start3A_42 : memref<1x128xi32, #tpu.memory_space<vmem>> -> memref<128xi32, #tpu.memory_space<vmem>>
    %dma_start3A_44 = arith.constant 0 : i32
    %dma_start3A_45 = arith.constant 0 : i32
    %dma_start3A_46 = tpu.memref_slice %arg3[%dma_start3A_44, %dma_start3A_45] : memref<1000002x64xf32, #tpu.memory_space<hbm>> -> memref<1000002x64xf32, #tpu.memory_space<hbm>>
    %dma_start3A_47 = tpu.memref_slice %arg7[%dma_start3A_36] : memref<8x!tpu.dma_semaphore, #tpu.memory_space<semaphore_mem>> -> memref<1x!tpu.dma_semaphore, #tpu.memory_space<semaphore_mem>>
    %dma_start3A_48 = tpu.memref_squeeze %dma_start3A_47 : memref<1x!tpu.dma_semaphore, #tpu.memory_space<semaphore_mem>> -> memref<!tpu.dma_semaphore, #tpu.memory_space<semaphore_mem>>
    tpu.enqueue_indirect_dma source(%dma_start3A_46 : memref<1000002x64xf32, #tpu.memory_space<hbm>>) target(%dma_start3A_40 : memref<128x64xf32, #tpu.memory_space<vmem>>) offsets(%dma_start3A_43 : memref<128xi32, #tpu.memory_space<vmem>>) semaphore(%dma_start3A_48 : memref<!tpu.dma_semaphore, #tpu.memory_space<semaphore_mem>>)
    %dma_start3A_49 = arith.constant 3 : i32
    %dma_start3A_50 = arith.constant 3 : i32
    %dma_start3A_51 = arith.constant 3 : i32
    %dma_start3A_52 = arith.constant 0 : i32
    %dma_start3A_53 = arith.constant 0 : i32
    %dma_start3A_54 = tpu.memref_slice %arg6[%dma_start3A_50, %dma_start3A_52, %dma_start3A_53] : memref<8x128x64xf32, #tpu.memory_space<vmem>> -> memref<1x128x64xf32, #tpu.memory_space<vmem>>
    %dma_start3A_55 = tpu.memref_squeeze %dma_start3A_54 : memref<1x128x64xf32, #tpu.memory_space<vmem>> -> memref<128x64xf32, #tpu.memory_space<vmem>>
    %dma_start3A_56 = arith.constant 0 : i32
    %dma_start3A_57 = tpu.memref_slice %arg5[%dma_start3A_49, %dma_start3A_56] : memref<200x128xi32, #tpu.memory_space<vmem>> -> memref<1x128xi32, #tpu.memory_space<vmem>>
    %dma_start3A_58 = tpu.memref_squeeze %dma_start3A_57 : memref<1x128xi32, #tpu.memory_space<vmem>> -> memref<128xi32, #tpu.memory_space<vmem>>
    %dma_start3A_59 = arith.constant 0 : i32
    %dma_start3A_60 = arith.constant 0 : i32
    %dma_start3A_61 = tpu.memref_slice %arg3[%dma_start3A_59, %dma_start3A_60] : memref<1000002x64xf32, #tpu.memory_space<hbm>> -> memref<1000002x64xf32, #tpu.memory_space<hbm>>
    %dma_start3A_62 = tpu.memref_slice %arg7[%dma_start3A_51] : memref<8x!tpu.dma_semaphore, #tpu.memory_space<semaphore_mem>> -> memref<1x!tpu.dma_semaphore, #tpu.memory_space<semaphore_mem>>
    %dma_start3A_63 = tpu.memref_squeeze %dma_start3A_62 : memref<1x!tpu.dma_semaphore, #tpu.memory_space<semaphore_mem>> -> memref<!tpu.dma_semaphore, #tpu.memory_space<semaphore_mem>>
    tpu.enqueue_indirect_dma source(%dma_start3A_61 : memref<1000002x64xf32, #tpu.memory_space<hbm>>) target(%dma_start3A_55 : memref<128x64xf32, #tpu.memory_space<vmem>>) offsets(%dma_start3A_58 : memref<128xi32, #tpu.memory_space<vmem>>) semaphore(%dma_start3A_63 : memref<!tpu.dma_semaphore, #tpu.memory_space<semaphore_mem>>)
    %dma_start3A_64 = arith.constant 4 : i32
    %dma_start3A_65 = arith.constant 4 : i32
    %dma_start3A_66 = arith.constant 4 : i32
    %dma_start3A_67 = arith.constant 0 : i32
    %dma_start3A_68 = arith.constant 0 : i32
    %dma_start3A_69 = tpu.memref_slice %arg6[%dma_start3A_65, %dma_start3A_67, %dma_start3A_68] : memref<8x128x64xf32, #tpu.memory_space<vmem>> -> memref<1x128x64xf32, #tpu.memory_space<vmem>>
    %dma_start3A_70 = tpu.memref_squeeze %dma_start3A_69 : memref<1x128x64xf32, #tpu.memory_space<vmem>> -> memref<128x64xf32, #tpu.memory_space<vmem>>
    %dma_start3A_71 = arith.constant 0 : i32
    %dma_start3A_72 = tpu.memref_slice %arg5[%dma_start3A_64, %dma_start3A_71] : memref<200x128xi32, #tpu.memory_space<vmem>> -> memref<1x128xi32, #tpu.memory_space<vmem>>
    %dma_start3A_73 = tpu.memref_squeeze %dma_start3A_72 : memref<1x128xi32, #tpu.memory_space<vmem>> -> memref<128xi32, #tpu.memory_space<vmem>>
    %dma_start3A_74 = arith.constant 0 : i32
    %dma_start3A_75 = arith.constant 0 : i32
    %dma_start3A_76 = tpu.memref_slice %arg3[%dma_start3A_74, %dma_start3A_75] : memref<1000002x64xf32, #tpu.memory_space<hbm>> -> memref<1000002x64xf32, #tpu.memory_space<hbm>>
    %dma_start3A_77 = tpu.memref_slice %arg7[%dma_start3A_66] : memref<8x!tpu.dma_semaphore, #tpu.memory_space<semaphore_mem>> -> memref<1x!tpu.dma_semaphore, #tpu.memory_space<semaphore_mem>>
    %dma_start3A_78 = tpu.memref_squeeze %dma_start3A_77 : memref<1x!tpu.dma_semaphore, #tpu.memory_space<semaphore_mem>> -> memref<!tpu.dma_semaphore, #tpu.memory_space<semaphore_mem>>
    tpu.enqueue_indirect_dma source(%dma_start3A_76 : memref<1000002x64xf32, #tpu.memory_space<hbm>>) target(%dma_start3A_70 : memref<128x64xf32, #tpu.memory_space<vmem>>) offsets(%dma_start3A_73 : memref<128xi32, #tpu.memory_space<vmem>>) semaphore(%dma_start3A_78 : memref<!tpu.dma_semaphore, #tpu.memory_space<semaphore_mem>>)
    %dma_start3A_79 = arith.constant 5 : i32
    %dma_start3A_80 = arith.constant 5 : i32
    %dma_start3A_81 = arith.constant 5 : i32
    %dma_start3A_82 = arith.constant 0 : i32
    %dma_start3A_83 = arith.constant 0 : i32
    %dma_start3A_84 = tpu.memref_slice %arg6[%dma_start3A_80, %dma_start3A_82, %dma_start3A_83] : memref<8x128x64xf32, #tpu.memory_space<vmem>> -> memref<1x128x64xf32, #tpu.memory_space<vmem>>
    %dma_start3A_85 = tpu.memref_squeeze %dma_start3A_84 : memref<1x128x64xf32, #tpu.memory_space<vmem>> -> memref<128x64xf32, #tpu.memory_space<vmem>>
    %dma_start3A_86 = arith.constant 0 : i32
    %dma_start3A_87 = tpu.memref_slice %arg5[%dma_start3A_79, %dma_start3A_86] : memref<200x128xi32, #tpu.memory_space<vmem>> -> memref<1x128xi32, #tpu.memory_space<vmem>>
    %dma_start3A_88 = tpu.memref_squeeze %dma_start3A_87 : memref<1x128xi32, #tpu.memory_space<vmem>> -> memref<128xi32, #tpu.memory_space<vmem>>
    %dma_start3A_89 = arith.constant 0 : i32
    %dma_start3A_90 = arith.constant 0 : i32
    %dma_start3A_91 = tpu.memref_slice %arg3[%dma_start3A_89, %dma_start3A_90] : memref<1000002x64xf32, #tpu.memory_space<hbm>> -> memref<1000002x64xf32, #tpu.memory_space<hbm>>
    %dma_start3A_92 = tpu.memref_slice %arg7[%dma_start3A_81] : memref<8x!tpu.dma_semaphore, #tpu.memory_space<semaphore_mem>> -> memref<1x!tpu.dma_semaphore, #tpu.memory_space<semaphore_mem>>
    %dma_start3A_93 = tpu.memref_squeeze %dma_start3A_92 : memref<1x!tpu.dma_semaphore, #tpu.memory_space<semaphore_mem>> -> memref<!tpu.dma_semaphore, #tpu.memory_space<semaphore_mem>>
    tpu.enqueue_indirect_dma source(%dma_start3A_91 : memref<1000002x64xf32, #tpu.memory_space<hbm>>) target(%dma_start3A_85 : memref<128x64xf32, #tpu.memory_space<vmem>>) offsets(%dma_start3A_88 : memref<128xi32, #tpu.memory_space<vmem>>) semaphore(%dma_start3A_93 : memref<!tpu.dma_semaphore, #tpu.memory_space<semaphore_mem>>)
    %dma_start3A_94 = arith.constant 6 : i32
    %dma_start3A_95 = arith.constant 6 : i32
    %dma_start3A_96 = arith.constant 6 : i32
    %dma_start3A_97 = arith.constant 0 : i32
    %dma_start3A_98 = arith.constant 0 : i32
    %dma_start3A_99 = tpu.memref_slice %arg6[%dma_start3A_95, %dma_start3A_97, %dma_start3A_98] : memref<8x128x64xf32, #tpu.memory_space<vmem>> -> memref<1x128x64xf32, #tpu.memory_space<vmem>>
    %dma_start3A_100 = tpu.memref_squeeze %dma_start3A_99 : memref<1x128x64xf32, #tpu.memory_space<vmem>> -> memref<128x64xf32, #tpu.memory_space<vmem>>
    %dma_start3A_101 = arith.constant 0 : i32
    %dma_start3A_102 = tpu.memref_slice %arg5[%dma_start3A_94, %dma_start3A_101] : memref<200x128xi32, #tpu.memory_space<vmem>> -> memref<1x128xi32, #tpu.memory_space<vmem>>
    %dma_start3A_103 = tpu.memref_squeeze %dma_start3A_102 : memref<1x128xi32, #tpu.memory_space<vmem>> -> memref<128xi32, #tpu.memory_space<vmem>>
    %dma_start3A_104 = arith.constant 0 : i32
    %dma_start3A_105 = arith.constant 0 : i32
    %dma_start3A_106 = tpu.memref_slice %arg3[%dma_start3A_104, %dma_start3A_105] : memref<1000002x64xf32, #tpu.memory_space<hbm>> -> memref<1000002x64xf32, #tpu.memory_space<hbm>>
    %dma_start3A_107 = tpu.memref_slice %arg7[%dma_start3A_96] : memref<8x!tpu.dma_semaphore, #tpu.memory_space<semaphore_mem>> -> memref<1x!tpu.dma_semaphore, #tpu.memory_space<semaphore_mem>>
    %dma_start3A_108 = tpu.memref_squeeze %dma_start3A_107 : memref<1x!tpu.dma_semaphore, #tpu.memory_space<semaphore_mem>> -> memref<!tpu.dma_semaphore, #tpu.memory_space<semaphore_mem>>
    tpu.enqueue_indirect_dma source(%dma_start3A_106 : memref<1000002x64xf32, #tpu.memory_space<hbm>>) target(%dma_start3A_100 : memref<128x64xf32, #tpu.memory_space<vmem>>) offsets(%dma_start3A_103 : memref<128xi32, #tpu.memory_space<vmem>>) semaphore(%dma_start3A_108 : memref<!tpu.dma_semaphore, #tpu.memory_space<semaphore_mem>>)
    %dma_start3A_109 = arith.constant 7 : i32
    %dma_start3A_110 = arith.constant 7 : i32
    %dma_start3A_111 = arith.constant 7 : i32
    %dma_start3A_112 = arith.constant 0 : i32
    %dma_start3A_113 = arith.constant 0 : i32
    %dma_start3A_114 = tpu.memref_slice %arg6[%dma_start3A_110, %dma_start3A_112, %dma_start3A_113] : memref<8x128x64xf32, #tpu.memory_space<vmem>> -> memref<1x128x64xf32, #tpu.memory_space<vmem>>
    %dma_start3A_115 = tpu.memref_squeeze %dma_start3A_114 : memref<1x128x64xf32, #tpu.memory_space<vmem>> -> memref<128x64xf32, #tpu.memory_space<vmem>>
    %dma_start3A_116 = arith.constant 0 : i32
    %dma_start3A_117 = tpu.memref_slice %arg5[%dma_start3A_109, %dma_start3A_116] : memref<200x128xi32, #tpu.memory_space<vmem>> -> memref<1x128xi32, #tpu.memory_space<vmem>>
    %dma_start3A_118 = tpu.memref_squeeze %dma_start3A_117 : memref<1x128xi32, #tpu.memory_space<vmem>> -> memref<128xi32, #tpu.memory_space<vmem>>
    %dma_start3A_119 = arith.constant 0 : i32
    %dma_start3A_120 = arith.constant 0 : i32
    %dma_start3A_121 = tpu.memref_slice %arg3[%dma_start3A_119, %dma_start3A_120] : memref<1000002x64xf32, #tpu.memory_space<hbm>> -> memref<1000002x64xf32, #tpu.memory_space<hbm>>
    %dma_start3A_122 = tpu.memref_slice %arg7[%dma_start3A_111] : memref<8x!tpu.dma_semaphore, #tpu.memory_space<semaphore_mem>> -> memref<1x!tpu.dma_semaphore, #tpu.memory_space<semaphore_mem>>
    %dma_start3A_123 = tpu.memref_squeeze %dma_start3A_122 : memref<1x!tpu.dma_semaphore, #tpu.memory_space<semaphore_mem>> -> memref<!tpu.dma_semaphore, #tpu.memory_space<semaphore_mem>>
    tpu.enqueue_indirect_dma source(%dma_start3A_121 : memref<1000002x64xf32, #tpu.memory_space<hbm>>) target(%dma_start3A_115 : memref<128x64xf32, #tpu.memory_space<vmem>>) offsets(%dma_start3A_118 : memref<128xi32, #tpu.memory_space<vmem>>) semaphore(%dma_start3A_123 : memref<!tpu.dma_semaphore, #tpu.memory_space<semaphore_mem>>)
    %scan3A = arith.constant 0 : i32
    %scan3A_124 = arith.constant 0 : i32
    %scan3A_125 = arith.constant 24 : i32
    %scan3A_126 = arith.addi %scan3A_124, %scan3A_125 : i32
    %scan3A_127 = arith.constant 1 : i32
    scf.for %scan3A_551 = %scan3A_124 to %scan3A_126 step %scan3A_127  : i32 {
      %mul3A_552 = arith.constant 8 : i32
      %mul3A_553 = arith.muli %scan3A_551, %mul3A_552 : i32
      %add3A_554 = arith.constant 0 : i32
      %add3A_555 = arith.addi %mul3A_553, %add3A_554 : i32
      %dma_wait3A_556 = arith.constant 0 : i32
      %dma_wait3A_557 = arith.constant 0 : i32
      %dma_wait3A_558 = arith.constant 0 : i32
      %dma_wait3A_559 = arith.constant 0 : i32
      %dma_wait3A_560 = tpu.memref_slice %arg6[%dma_wait3A_556, %dma_wait3A_558, %dma_wait3A_559] : memref<8x128x64xf32, #tpu.memory_space<vmem>> -> memref<1x128x64xf32, #tpu.memory_space<vmem>>
      %dma_wait3A_561 = tpu.memref_squeeze %dma_wait3A_560 : memref<1x128x64xf32, #tpu.memory_space<vmem>> -> memref<128x64xf32, #tpu.memory_space<vmem>>
      %dma_wait3A_562 = arith.constant 0 : i32
      %dma_wait3A_563 = tpu.memref_slice %arg5[%add3A_555, %dma_wait3A_562] : memref<200x128xi32, #tpu.memory_space<vmem>> -> memref<1x128xi32, #tpu.memory_space<vmem>>
      %dma_wait3A_564 = tpu.memref_squeeze %dma_wait3A_563 : memref<1x128xi32, #tpu.memory_space<vmem>> -> memref<128xi32, #tpu.memory_space<vmem>>
      %dma_wait3A_565 = arith.constant 0 : i32
      %dma_wait3A_566 = arith.constant 0 : i32
      %dma_wait3A_567 = tpu.memref_slice %arg3[%dma_wait3A_565, %dma_wait3A_566] : memref<1000002x64xf32, #tpu.memory_space<hbm>> -> memref<1000002x64xf32, #tpu.memory_space<hbm>>
      %dma_wait3A_568 = tpu.memref_slice %arg7[%dma_wait3A_557] : memref<8x!tpu.dma_semaphore, #tpu.memory_space<semaphore_mem>> -> memref<1x!tpu.dma_semaphore, #tpu.memory_space<semaphore_mem>>
      %dma_wait3A_569 = tpu.memref_squeeze %dma_wait3A_568 : memref<1x!tpu.dma_semaphore, #tpu.memory_space<semaphore_mem>> -> memref<!tpu.dma_semaphore, #tpu.memory_space<semaphore_mem>>
      tpu.wait_indirect_dma semaphore(%dma_wait3A_569 : memref<!tpu.dma_semaphore, #tpu.memory_space<semaphore_mem>>) src(%dma_wait3A_567 : memref<1000002x64xf32, #tpu.memory_space<hbm>>) dst(%dma_wait3A_561 : memref<128x64xf32, #tpu.memory_space<vmem>>)
      %mul3A_570 = arith.constant 128 : i32
      %mul3A_571 = arith.muli %add3A_555, %mul3A_570 : i32
      %add3A_572 = arith.addi %mul3A_4, %mul3A_571 : i32
      %multiple_of3A_573 = tpu.assume_multiple %add3A_572, 128 : i32
      %dma_start3A_574 = arith.constant 0 : i32
      %dma_start3A_575 = arith.constant 0 : i32
      %dma_start3A_576 = arith.constant 0 : i32
      %dma_start3A_577 = arith.constant 0 : i32
      %dma_start3A_578 = tpu.memref_slice %arg6[%dma_start3A_574, %dma_start3A_576, %dma_start3A_577] : memref<8x128x64xf32, #tpu.memory_space<vmem>> -> memref<1x128x64xf32, #tpu.memory_space<vmem>>
      %dma_start3A_579 = tpu.memref_squeeze %dma_start3A_578 : memref<1x128x64xf32, #tpu.memory_space<vmem>> -> memref<128x64xf32, #tpu.memory_space<vmem>>
      %dma_start3A_580 = arith.constant 0 : i32
      %dma_start3A_581 = tpu.memref_slice %arg4[%multiple_of3A_573, %dma_start3A_580] : memref<819200x64xf32, #tpu.memory_space<hbm>> -> memref<128x64xf32, #tpu.memory_space<hbm>>
      %dma_start3A_582 = tpu.memref_slice %arg8[%dma_start3A_575] : memref<8x!tpu.dma_semaphore, #tpu.memory_space<semaphore_mem>> -> memref<1x!tpu.dma_semaphore, #tpu.memory_space<semaphore_mem>>
      %dma_start3A_583 = tpu.memref_squeeze %dma_start3A_582 : memref<1x!tpu.dma_semaphore, #tpu.memory_space<semaphore_mem>> -> memref<!tpu.dma_semaphore, #tpu.memory_space<semaphore_mem>>
      %dma_start3A_584 = arith.constant 0 : i32
      %dma_start3A_585 = tpu.memref_slice %arg4[%multiple_of3A_573, %dma_start3A_584] : memref<819200x64xf32, #tpu.memory_space<hbm>> -> memref<128x64xf32, #tpu.memory_space<hbm>>
      %dma_start3A_586 = arith.constant 0 : i32
      %dma_start3A_587 = arith.constant 0 : i32
      %dma_start3A_588 = tpu.memref_slice %arg6[%dma_start3A_574, %dma_start3A_586, %dma_start3A_587] : memref<8x128x64xf32, #tpu.memory_space<vmem>> -> memref<1x128x64xf32, #tpu.memory_space<vmem>>
      %dma_start3A_589 = tpu.memref_squeeze %dma_start3A_588 : memref<1x128x64xf32, #tpu.memory_space<vmem>> -> memref<128x64xf32, #tpu.memory_space<vmem>>
      tpu.enqueue_dma source(%dma_start3A_589 : memref<128x64xf32, #tpu.memory_space<vmem>>) target(%dma_start3A_585 : memref<128x64xf32, #tpu.memory_space<hbm>>) target_semaphore(%dma_start3A_583 : memref<!tpu.dma_semaphore, #tpu.memory_space<semaphore_mem>>)
      %add3A_590 = arith.constant 1 : i32
      %add3A_591 = arith.addi %mul3A_553, %add3A_590 : i32
      %dma_wait3A_592 = arith.constant 1 : i32
      %dma_wait3A_593 = arith.constant 1 : i32
      %dma_wait3A_594 = arith.constant 0 : i32
      %dma_wait3A_595 = arith.constant 0 : i32
      %dma_wait3A_596 = tpu.memref_slice %arg6[%dma_wait3A_592, %dma_wait3A_594, %dma_wait3A_595] : memref<8x128x64xf32, #tpu.memory_space<vmem>> -> memref<1x128x64xf32, #tpu.memory_space<vmem>>
      %dma_wait3A_597 = tpu.memref_squeeze %dma_wait3A_596 : memref<1x128x64xf32, #tpu.memory_space<vmem>> -> memref<128x64xf32, #tpu.memory_space<vmem>>
      %dma_wait3A_598 = arith.constant 0 : i32
      %dma_wait3A_599 = tpu.memref_slice %arg5[%add3A_591, %dma_wait3A_598] : memref<200x128xi32, #tpu.memory_space<vmem>> -> memref<1x128xi32, #tpu.memory_space<vmem>>
      %dma_wait3A_600 = tpu.memref_squeeze %dma_wait3A_599 : memref<1x128xi32, #tpu.memory_space<vmem>> -> memref<128xi32, #tpu.memory_space<vmem>>
      %dma_wait3A_601 = arith.constant 0 : i32
      %dma_wait3A_602 = arith.constant 0 : i32
      %dma_wait3A_603 = tpu.memref_slice %arg3[%dma_wait3A_601, %dma_wait3A_602] : memref<1000002x64xf32, #tpu.memory_space<hbm>> -> memref<1000002x64xf32, #tpu.memory_space<hbm>>
      %dma_wait3A_604 = tpu.memref_slice %arg7[%dma_wait3A_593] : memref<8x!tpu.dma_semaphore, #tpu.memory_space<semaphore_mem>> -> memref<1x!tpu.dma_semaphore, #tpu.memory_space<semaphore_mem>>
      %dma_wait3A_605 = tpu.memref_squeeze %dma_wait3A_604 : memref<1x!tpu.dma_semaphore, #tpu.memory_space<semaphore_mem>> -> memref<!tpu.dma_semaphore, #tpu.memory_space<semaphore_mem>>
      tpu.wait_indirect_dma semaphore(%dma_wait3A_605 : memref<!tpu.dma_semaphore, #tpu.memory_space<semaphore_mem>>) src(%dma_wait3A_603 : memref<1000002x64xf32, #tpu.memory_space<hbm>>) dst(%dma_wait3A_597 : memref<128x64xf32, #tpu.memory_space<vmem>>)
      %mul3A_606 = arith.constant 128 : i32
      %mul3A_607 = arith.muli %add3A_591, %mul3A_606 : i32
      %add3A_608 = arith.addi %mul3A_4, %mul3A_607 : i32
      %multiple_of3A_609 = tpu.assume_multiple %add3A_608, 128 : i32
      %dma_start3A_610 = arith.constant 1 : i32
      %dma_start3A_611 = arith.constant 1 : i32
      %dma_start3A_612 = arith.constant 0 : i32
      %dma_start3A_613 = arith.constant 0 : i32
      %dma_start3A_614 = tpu.memref_slice %arg6[%dma_start3A_610, %dma_start3A_612, %dma_start3A_613] : memref<8x128x64xf32, #tpu.memory_space<vmem>> -> memref<1x128x64xf32, #tpu.memory_space<vmem>>
      %dma_start3A_615 = tpu.memref_squeeze %dma_start3A_614 : memref<1x128x64xf32, #tpu.memory_space<vmem>> -> memref<128x64xf32, #tpu.memory_space<vmem>>
      %dma_start3A_616 = arith.constant 0 : i32
      %dma_start3A_617 = tpu.memref_slice %arg4[%multiple_of3A_609, %dma_start3A_616] : memref<819200x64xf32, #tpu.memory_space<hbm>> -> memref<128x64xf32, #tpu.memory_space<hbm>>
      %dma_start3A_618 = tpu.memref_slice %arg8[%dma_start3A_611] : memref<8x!tpu.dma_semaphore, #tpu.memory_space<semaphore_mem>> -> memref<1x!tpu.dma_semaphore, #tpu.memory_space<semaphore_mem>>
      %dma_start3A_619 = tpu.memref_squeeze %dma_start3A_618 : memref<1x!tpu.dma_semaphore, #tpu.memory_space<semaphore_mem>> -> memref<!tpu.dma_semaphore, #tpu.memory_space<semaphore_mem>>
      %dma_start3A_620 = arith.constant 0 : i32
      %dma_start3A_621 = tpu.memref_slice %arg4[%multiple_of3A_609, %dma_start3A_620] : memref<819200x64xf32, #tpu.memory_space<hbm>> -> memref<128x64xf32, #tpu.memory_space<hbm>>
      %dma_start3A_622 = arith.constant 0 : i32
      %dma_start3A_623 = arith.constant 0 : i32
      %dma_start3A_624 = tpu.memref_slice %arg6[%dma_start3A_610, %dma_start3A_622, %dma_start3A_623] : memref<8x128x64xf32, #tpu.memory_space<vmem>> -> memref<1x128x64xf32, #tpu.memory_space<vmem>>
      %dma_start3A_625 = tpu.memref_squeeze %dma_start3A_624 : memref<1x128x64xf32, #tpu.memory_space<vmem>> -> memref<128x64xf32, #tpu.memory_space<vmem>>
      tpu.enqueue_dma source(%dma_start3A_625 : memref<128x64xf32, #tpu.memory_space<vmem>>) target(%dma_start3A_621 : memref<128x64xf32, #tpu.memory_space<hbm>>) target_semaphore(%dma_start3A_619 : memref<!tpu.dma_semaphore, #tpu.memory_space<semaphore_mem>>)
      %add3A_626 = arith.constant 2 : i32
      %add3A_627 = arith.addi %mul3A_553, %add3A_626 : i32
      %dma_wait3A_628 = arith.constant 2 : i32
      %dma_wait3A_629 = arith.constant 2 : i32
      %dma_wait3A_630 = arith.constant 0 : i32
      %dma_wait3A_631 = arith.constant 0 : i32
      %dma_wait3A_632 = tpu.memref_slice %arg6[%dma_wait3A_628, %dma_wait3A_630, %dma_wait3A_631] : memref<8x128x64xf32, #tpu.memory_space<vmem>> -> memref<1x128x64xf32, #tpu.memory_space<vmem>>
      %dma_wait3A_633 = tpu.memref_squeeze %dma_wait3A_632 : memref<1x128x64xf32, #tpu.memory_space<vmem>> -> memref<128x64xf32, #tpu.memory_space<vmem>>
      %dma_wait3A_634 = arith.constant 0 : i32
      %dma_wait3A_635 = tpu.memref_slice %arg5[%add3A_627, %dma_wait3A_634] : memref<200x128xi32, #tpu.memory_space<vmem>> -> memref<1x128xi32, #tpu.memory_space<vmem>>
      %dma_wait3A_636 = tpu.memref_squeeze %dma_wait3A_635 : memref<1x128xi32, #tpu.memory_space<vmem>> -> memref<128xi32, #tpu.memory_space<vmem>>
      %dma_wait3A_637 = arith.constant 0 : i32
      %dma_wait3A_638 = arith.constant 0 : i32
      %dma_wait3A_639 = tpu.memref_slice %arg3[%dma_wait3A_637, %dma_wait3A_638] : memref<1000002x64xf32, #tpu.memory_space<hbm>> -> memref<1000002x64xf32, #tpu.memory_space<hbm>>
      %dma_wait3A_640 = tpu.memref_slice %arg7[%dma_wait3A_629] : memref<8x!tpu.dma_semaphore, #tpu.memory_space<semaphore_mem>> -> memref<1x!tpu.dma_semaphore, #tpu.memory_space<semaphore_mem>>
      %dma_wait3A_641 = tpu.memref_squeeze %dma_wait3A_640 : memref<1x!tpu.dma_semaphore, #tpu.memory_space<semaphore_mem>> -> memref<!tpu.dma_semaphore, #tpu.memory_space<semaphore_mem>>
      tpu.wait_indirect_dma semaphore(%dma_wait3A_641 : memref<!tpu.dma_semaphore, #tpu.memory_space<semaphore_mem>>) src(%dma_wait3A_639 : memref<1000002x64xf32, #tpu.memory_space<hbm>>) dst(%dma_wait3A_633 : memref<128x64xf32, #tpu.memory_space<vmem>>)
      %mul3A_642 = arith.constant 128 : i32
      %mul3A_643 = arith.muli %add3A_627, %mul3A_642 : i32
      %add3A_644 = arith.addi %mul3A_4, %mul3A_643 : i32
      %multiple_of3A_645 = tpu.assume_multiple %add3A_644, 128 : i32
      %dma_start3A_646 = arith.constant 2 : i32
      %dma_start3A_647 = arith.constant 2 : i32
      %dma_start3A_648 = arith.constant 0 : i32
      %dma_start3A_649 = arith.constant 0 : i32
      %dma_start3A_650 = tpu.memref_slice %arg6[%dma_start3A_646, %dma_start3A_648, %dma_start3A_649] : memref<8x128x64xf32, #tpu.memory_space<vmem>> -> memref<1x128x64xf32, #tpu.memory_space<vmem>>
      %dma_start3A_651 = tpu.memref_squeeze %dma_start3A_650 : memref<1x128x64xf32, #tpu.memory_space<vmem>> -> memref<128x64xf32, #tpu.memory_space<vmem>>
      %dma_start3A_652 = arith.constant 0 : i32
      %dma_start3A_653 = tpu.memref_slice %arg4[%multiple_of3A_645, %dma_start3A_652] : memref<819200x64xf32, #tpu.memory_space<hbm>> -> memref<128x64xf32, #tpu.memory_space<hbm>>
      %dma_start3A_654 = tpu.memref_slice %arg8[%dma_start3A_647] : memref<8x!tpu.dma_semaphore, #tpu.memory_space<semaphore_mem>> -> memref<1x!tpu.dma_semaphore, #tpu.memory_space<semaphore_mem>>
      %dma_start3A_655 = tpu.memref_squeeze %dma_start3A_654 : memref<1x!tpu.dma_semaphore, #tpu.memory_space<semaphore_mem>> -> memref<!tpu.dma_semaphore, #tpu.memory_space<semaphore_mem>>
      %dma_start3A_656 = arith.constant 0 : i32
      %dma_start3A_657 = tpu.memref_slice %arg4[%multiple_of3A_645, %dma_start3A_656] : memref<819200x64xf32, #tpu.memory_space<hbm>> -> memref<128x64xf32, #tpu.memory_space<hbm>>
      %dma_start3A_658 = arith.constant 0 : i32
      %dma_start3A_659 = arith.constant 0 : i32
      %dma_start3A_660 = tpu.memref_slice %arg6[%dma_start3A_646, %dma_start3A_658, %dma_start3A_659] : memref<8x128x64xf32, #tpu.memory_space<vmem>> -> memref<1x128x64xf32, #tpu.memory_space<vmem>>
      %dma_start3A_661 = tpu.memref_squeeze %dma_start3A_660 : memref<1x128x64xf32, #tpu.memory_space<vmem>> -> memref<128x64xf32, #tpu.memory_space<vmem>>
      tpu.enqueue_dma source(%dma_start3A_661 : memref<128x64xf32, #tpu.memory_space<vmem>>) target(%dma_start3A_657 : memref<128x64xf32, #tpu.memory_space<hbm>>) target_semaphore(%dma_start3A_655 : memref<!tpu.dma_semaphore, #tpu.memory_space<semaphore_mem>>)
      %add3A_662 = arith.constant 3 : i32
      %add3A_663 = arith.addi %mul3A_553, %add3A_662 : i32
      %dma_wait3A_664 = arith.constant 3 : i32
      %dma_wait3A_665 = arith.constant 3 : i32
      %dma_wait3A_666 = arith.constant 0 : i32
      %dma_wait3A_667 = arith.constant 0 : i32
      %dma_wait3A_668 = tpu.memref_slice %arg6[%dma_wait3A_664, %dma_wait3A_666, %dma_wait3A_667] : memref<8x128x64xf32, #tpu.memory_space<vmem>> -> memref<1x128x64xf32, #tpu.memory_space<vmem>>
      %dma_wait3A_669 = tpu.memref_squeeze %dma_wait3A_668 : memref<1x128x64xf32, #tpu.memory_space<vmem>> -> memref<128x64xf32, #tpu.memory_space<vmem>>
      %dma_wait3A_670 = arith.constant 0 : i32
      %dma_wait3A_671 = tpu.memref_slice %arg5[%add3A_663, %dma_wait3A_670] : memref<200x128xi32, #tpu.memory_space<vmem>> -> memref<1x128xi32, #tpu.memory_space<vmem>>
      %dma_wait3A_672 = tpu.memref_squeeze %dma_wait3A_671 : memref<1x128xi32, #tpu.memory_space<vmem>> -> memref<128xi32, #tpu.memory_space<vmem>>
      %dma_wait3A_673 = arith.constant 0 : i32
      %dma_wait3A_674 = arith.constant 0 : i32
      %dma_wait3A_675 = tpu.memref_slice %arg3[%dma_wait3A_673, %dma_wait3A_674] : memref<1000002x64xf32, #tpu.memory_space<hbm>> -> memref<1000002x64xf32, #tpu.memory_space<hbm>>
      %dma_wait3A_676 = tpu.memref_slice %arg7[%dma_wait3A_665] : memref<8x!tpu.dma_semaphore, #tpu.memory_space<semaphore_mem>> -> memref<1x!tpu.dma_semaphore, #tpu.memory_space<semaphore_mem>>
      %dma_wait3A_677 = tpu.memref_squeeze %dma_wait3A_676 : memref<1x!tpu.dma_semaphore, #tpu.memory_space<semaphore_mem>> -> memref<!tpu.dma_semaphore, #tpu.memory_space<semaphore_mem>>
      tpu.wait_indirect_dma semaphore(%dma_wait3A_677 : memref<!tpu.dma_semaphore, #tpu.memory_space<semaphore_mem>>) src(%dma_wait3A_675 : memref<1000002x64xf32, #tpu.memory_space<hbm>>) dst(%dma_wait3A_669 : memref<128x64xf32, #tpu.memory_space<vmem>>)
      %mul3A_678 = arith.constant 128 : i32
      %mul3A_679 = arith.muli %add3A_663, %mul3A_678 : i32
      %add3A_680 = arith.addi %mul3A_4, %mul3A_679 : i32
      %multiple_of3A_681 = tpu.assume_multiple %add3A_680, 128 : i32
      %dma_start3A_682 = arith.constant 3 : i32
      %dma_start3A_683 = arith.constant 3 : i32
      %dma_start3A_684 = arith.constant 0 : i32
      %dma_start3A_685 = arith.constant 0 : i32
      %dma_start3A_686 = tpu.memref_slice %arg6[%dma_start3A_682, %dma_start3A_684, %dma_start3A_685] : memref<8x128x64xf32, #tpu.memory_space<vmem>> -> memref<1x128x64xf32, #tpu.memory_space<vmem>>
      %dma_start3A_687 = tpu.memref_squeeze %dma_start3A_686 : memref<1x128x64xf32, #tpu.memory_space<vmem>> -> memref<128x64xf32, #tpu.memory_space<vmem>>
      %dma_start3A_688 = arith.constant 0 : i32
      %dma_start3A_689 = tpu.memref_slice %arg4[%multiple_of3A_681, %dma_start3A_688] : memref<819200x64xf32, #tpu.memory_space<hbm>> -> memref<128x64xf32, #tpu.memory_space<hbm>>
      %dma_start3A_690 = tpu.memref_slice %arg8[%dma_start3A_683] : memref<8x!tpu.dma_semaphore, #tpu.memory_space<semaphore_mem>> -> memref<1x!tpu.dma_semaphore, #tpu.memory_space<semaphore_mem>>
      %dma_start3A_691 = tpu.memref_squeeze %dma_start3A_690 : memref<1x!tpu.dma_semaphore, #tpu.memory_space<semaphore_mem>> -> memref<!tpu.dma_semaphore, #tpu.memory_space<semaphore_mem>>
      %dma_start3A_692 = arith.constant 0 : i32
      %dma_start3A_693 = tpu.memref_slice %arg4[%multiple_of3A_681, %dma_start3A_692] : memref<819200x64xf32, #tpu.memory_space<hbm>> -> memref<128x64xf32, #tpu.memory_space<hbm>>
      %dma_start3A_694 = arith.constant 0 : i32
      %dma_start3A_695 = arith.constant 0 : i32
      %dma_start3A_696 = tpu.memref_slice %arg6[%dma_start3A_682, %dma_start3A_694, %dma_start3A_695] : memref<8x128x64xf32, #tpu.memory_space<vmem>> -> memref<1x128x64xf32, #tpu.memory_space<vmem>>
      %dma_start3A_697 = tpu.memref_squeeze %dma_start3A_696 : memref<1x128x64xf32, #tpu.memory_space<vmem>> -> memref<128x64xf32, #tpu.memory_space<vmem>>
      tpu.enqueue_dma source(%dma_start3A_697 : memref<128x64xf32, #tpu.memory_space<vmem>>) target(%dma_start3A_693 : memref<128x64xf32, #tpu.memory_space<hbm>>) target_semaphore(%dma_start3A_691 : memref<!tpu.dma_semaphore, #tpu.memory_space<semaphore_mem>>)
      %add3A_698 = arith.constant 4 : i32
      %add3A_699 = arith.addi %mul3A_553, %add3A_698 : i32
      %dma_wait3A_700 = arith.constant 4 : i32
      %dma_wait3A_701 = arith.constant 4 : i32
      %dma_wait3A_702 = arith.constant 0 : i32
      %dma_wait3A_703 = arith.constant 0 : i32
      %dma_wait3A_704 = tpu.memref_slice %arg6[%dma_wait3A_700, %dma_wait3A_702, %dma_wait3A_703] : memref<8x128x64xf32, #tpu.memory_space<vmem>> -> memref<1x128x64xf32, #tpu.memory_space<vmem>>
      %dma_wait3A_705 = tpu.memref_squeeze %dma_wait3A_704 : memref<1x128x64xf32, #tpu.memory_space<vmem>> -> memref<128x64xf32, #tpu.memory_space<vmem>>
      %dma_wait3A_706 = arith.constant 0 : i32
      %dma_wait3A_707 = tpu.memref_slice %arg5[%add3A_699, %dma_wait3A_706] : memref<200x128xi32, #tpu.memory_space<vmem>> -> memref<1x128xi32, #tpu.memory_space<vmem>>
      %dma_wait3A_708 = tpu.memref_squeeze %dma_wait3A_707 : memref<1x128xi32, #tpu.memory_space<vmem>> -> memref<128xi32, #tpu.memory_space<vmem>>
      %dma_wait3A_709 = arith.constant 0 : i32
      %dma_wait3A_710 = arith.constant 0 : i32
      %dma_wait3A_711 = tpu.memref_slice %arg3[%dma_wait3A_709, %dma_wait3A_710] : memref<1000002x64xf32, #tpu.memory_space<hbm>> -> memref<1000002x64xf32, #tpu.memory_space<hbm>>
      %dma_wait3A_712 = tpu.memref_slice %arg7[%dma_wait3A_701] : memref<8x!tpu.dma_semaphore, #tpu.memory_space<semaphore_mem>> -> memref<1x!tpu.dma_semaphore, #tpu.memory_space<semaphore_mem>>
      %dma_wait3A_713 = tpu.memref_squeeze %dma_wait3A_712 : memref<1x!tpu.dma_semaphore, #tpu.memory_space<semaphore_mem>> -> memref<!tpu.dma_semaphore, #tpu.memory_space<semaphore_mem>>
      tpu.wait_indirect_dma semaphore(%dma_wait3A_713 : memref<!tpu.dma_semaphore, #tpu.memory_space<semaphore_mem>>) src(%dma_wait3A_711 : memref<1000002x64xf32, #tpu.memory_space<hbm>>) dst(%dma_wait3A_705 : memref<128x64xf32, #tpu.memory_space<vmem>>)
      %mul3A_714 = arith.constant 128 : i32
      %mul3A_715 = arith.muli %add3A_699, %mul3A_714 : i32
      %add3A_716 = arith.addi %mul3A_4, %mul3A_715 : i32
      %multiple_of3A_717 = tpu.assume_multiple %add3A_716, 128 : i32
      %dma_start3A_718 = arith.constant 4 : i32
      %dma_start3A_719 = arith.constant 4 : i32
      %dma_start3A_720 = arith.constant 0 : i32
      %dma_start3A_721 = arith.constant 0 : i32
      %dma_start3A_722 = tpu.memref_slice %arg6[%dma_start3A_718, %dma_start3A_720, %dma_start3A_721] : memref<8x128x64xf32, #tpu.memory_space<vmem>> -> memref<1x128x64xf32, #tpu.memory_space<vmem>>
      %dma_start3A_723 = tpu.memref_squeeze %dma_start3A_722 : memref<1x128x64xf32, #tpu.memory_space<vmem>> -> memref<128x64xf32, #tpu.memory_space<vmem>>
      %dma_start3A_724 = arith.constant 0 : i32
      %dma_start3A_725 = tpu.memref_slice %arg4[%multiple_of3A_717, %dma_start3A_724] : memref<819200x64xf32, #tpu.memory_space<hbm>> -> memref<128x64xf32, #tpu.memory_space<hbm>>
      %dma_start3A_726 = tpu.memref_slice %arg8[%dma_start3A_719] : memref<8x!tpu.dma_semaphore, #tpu.memory_space<semaphore_mem>> -> memref<1x!tpu.dma_semaphore, #tpu.memory_space<semaphore_mem>>
      %dma_start3A_727 = tpu.memref_squeeze %dma_start3A_726 : memref<1x!tpu.dma_semaphore, #tpu.memory_space<semaphore_mem>> -> memref<!tpu.dma_semaphore, #tpu.memory_space<semaphore_mem>>
      %dma_start3A_728 = arith.constant 0 : i32
      %dma_start3A_729 = tpu.memref_slice %arg4[%multiple_of3A_717, %dma_start3A_728] : memref<819200x64xf32, #tpu.memory_space<hbm>> -> memref<128x64xf32, #tpu.memory_space<hbm>>
      %dma_start3A_730 = arith.constant 0 : i32
      %dma_start3A_731 = arith.constant 0 : i32
      %dma_start3A_732 = tpu.memref_slice %arg6[%dma_start3A_718, %dma_start3A_730, %dma_start3A_731] : memref<8x128x64xf32, #tpu.memory_space<vmem>> -> memref<1x128x64xf32, #tpu.memory_space<vmem>>
      %dma_start3A_733 = tpu.memref_squeeze %dma_start3A_732 : memref<1x128x64xf32, #tpu.memory_space<vmem>> -> memref<128x64xf32, #tpu.memory_space<vmem>>
      tpu.enqueue_dma source(%dma_start3A_733 : memref<128x64xf32, #tpu.memory_space<vmem>>) target(%dma_start3A_729 : memref<128x64xf32, #tpu.memory_space<hbm>>) target_semaphore(%dma_start3A_727 : memref<!tpu.dma_semaphore, #tpu.memory_space<semaphore_mem>>)
      %add3A_734 = arith.constant 5 : i32
      %add3A_735 = arith.addi %mul3A_553, %add3A_734 : i32
      %dma_wait3A_736 = arith.constant 5 : i32
      %dma_wait3A_737 = arith.constant 5 : i32
      %dma_wait3A_738 = arith.constant 0 : i32
      %dma_wait3A_739 = arith.constant 0 : i32
      %dma_wait3A_740 = tpu.memref_slice %arg6[%dma_wait3A_736, %dma_wait3A_738, %dma_wait3A_739] : memref<8x128x64xf32, #tpu.memory_space<vmem>> -> memref<1x128x64xf32, #tpu.memory_space<vmem>>
      %dma_wait3A_741 = tpu.memref_squeeze %dma_wait3A_740 : memref<1x128x64xf32, #tpu.memory_space<vmem>> -> memref<128x64xf32, #tpu.memory_space<vmem>>
      %dma_wait3A_742 = arith.constant 0 : i32
      %dma_wait3A_743 = tpu.memref_slice %arg5[%add3A_735, %dma_wait3A_742] : memref<200x128xi32, #tpu.memory_space<vmem>> -> memref<1x128xi32, #tpu.memory_space<vmem>>
      %dma_wait3A_744 = tpu.memref_squeeze %dma_wait3A_743 : memref<1x128xi32, #tpu.memory_space<vmem>> -> memref<128xi32, #tpu.memory_space<vmem>>
      %dma_wait3A_745 = arith.constant 0 : i32
      %dma_wait3A_746 = arith.constant 0 : i32
      %dma_wait3A_747 = tpu.memref_slice %arg3[%dma_wait3A_745, %dma_wait3A_746] : memref<1000002x64xf32, #tpu.memory_space<hbm>> -> memref<1000002x64xf32, #tpu.memory_space<hbm>>
      %dma_wait3A_748 = tpu.memref_slice %arg7[%dma_wait3A_737] : memref<8x!tpu.dma_semaphore, #tpu.memory_space<semaphore_mem>> -> memref<1x!tpu.dma_semaphore, #tpu.memory_space<semaphore_mem>>
      %dma_wait3A_749 = tpu.memref_squeeze %dma_wait3A_748 : memref<1x!tpu.dma_semaphore, #tpu.memory_space<semaphore_mem>> -> memref<!tpu.dma_semaphore, #tpu.memory_space<semaphore_mem>>
      tpu.wait_indirect_dma semaphore(%dma_wait3A_749 : memref<!tpu.dma_semaphore, #tpu.memory_space<semaphore_mem>>) src(%dma_wait3A_747 : memref<1000002x64xf32, #tpu.memory_space<hbm>>) dst(%dma_wait3A_741 : memref<128x64xf32, #tpu.memory_space<vmem>>)
      %mul3A_750 = arith.constant 128 : i32
      %mul3A_751 = arith.muli %add3A_735, %mul3A_750 : i32
      %add3A_752 = arith.addi %mul3A_4, %mul3A_751 : i32
      %multiple_of3A_753 = tpu.assume_multiple %add3A_752, 128 : i32
      %dma_start3A_754 = arith.constant 5 : i32
      %dma_start3A_755 = arith.constant 5 : i32
      %dma_start3A_756 = arith.constant 0 : i32
      %dma_start3A_757 = arith.constant 0 : i32
      %dma_start3A_758 = tpu.memref_slice %arg6[%dma_start3A_754, %dma_start3A_756, %dma_start3A_757] : memref<8x128x64xf32, #tpu.memory_space<vmem>> -> memref<1x128x64xf32, #tpu.memory_space<vmem>>
      %dma_start3A_759 = tpu.memref_squeeze %dma_start3A_758 : memref<1x128x64xf32, #tpu.memory_space<vmem>> -> memref<128x64xf32, #tpu.memory_space<vmem>>
      %dma_start3A_760 = arith.constant 0 : i32
      %dma_start3A_761 = tpu.memref_slice %arg4[%multiple_of3A_753, %dma_start3A_760] : memref<819200x64xf32, #tpu.memory_space<hbm>> -> memref<128x64xf32, #tpu.memory_space<hbm>>
      %dma_start3A_762 = tpu.memref_slice %arg8[%dma_start3A_755] : memref<8x!tpu.dma_semaphore, #tpu.memory_space<semaphore_mem>> -> memref<1x!tpu.dma_semaphore, #tpu.memory_space<semaphore_mem>>
      %dma_start3A_763 = tpu.memref_squeeze %dma_start3A_762 : memref<1x!tpu.dma_semaphore, #tpu.memory_space<semaphore_mem>> -> memref<!tpu.dma_semaphore, #tpu.memory_space<semaphore_mem>>
      %dma_start3A_764 = arith.constant 0 : i32
      %dma_start3A_765 = tpu.memref_slice %arg4[%multiple_of3A_753, %dma_start3A_764] : memref<819200x64xf32, #tpu.memory_space<hbm>> -> memref<128x64xf32, #tpu.memory_space<hbm>>
      %dma_start3A_766 = arith.constant 0 : i32
      %dma_start3A_767 = arith.constant 0 : i32
      %dma_start3A_768 = tpu.memref_slice %arg6[%dma_start3A_754, %dma_start3A_766, %dma_start3A_767] : memref<8x128x64xf32, #tpu.memory_space<vmem>> -> memref<1x128x64xf32, #tpu.memory_space<vmem>>
      %dma_start3A_769 = tpu.memref_squeeze %dma_start3A_768 : memref<1x128x64xf32, #tpu.memory_space<vmem>> -> memref<128x64xf32, #tpu.memory_space<vmem>>
      tpu.enqueue_dma source(%dma_start3A_769 : memref<128x64xf32, #tpu.memory_space<vmem>>) target(%dma_start3A_765 : memref<128x64xf32, #tpu.memory_space<hbm>>) target_semaphore(%dma_start3A_763 : memref<!tpu.dma_semaphore, #tpu.memory_space<semaphore_mem>>)
      %add3A_770 = arith.constant 6 : i32
      %add3A_771 = arith.addi %mul3A_553, %add3A_770 : i32
      %dma_wait3A_772 = arith.constant 6 : i32
      %dma_wait3A_773 = arith.constant 6 : i32
      %dma_wait3A_774 = arith.constant 0 : i32
      %dma_wait3A_775 = arith.constant 0 : i32
      %dma_wait3A_776 = tpu.memref_slice %arg6[%dma_wait3A_772, %dma_wait3A_774, %dma_wait3A_775] : memref<8x128x64xf32, #tpu.memory_space<vmem>> -> memref<1x128x64xf32, #tpu.memory_space<vmem>>
      %dma_wait3A_777 = tpu.memref_squeeze %dma_wait3A_776 : memref<1x128x64xf32, #tpu.memory_space<vmem>> -> memref<128x64xf32, #tpu.memory_space<vmem>>
      %dma_wait3A_778 = arith.constant 0 : i32
      %dma_wait3A_779 = tpu.memref_slice %arg5[%add3A_771, %dma_wait3A_778] : memref<200x128xi32, #tpu.memory_space<vmem>> -> memref<1x128xi32, #tpu.memory_space<vmem>>
      %dma_wait3A_780 = tpu.memref_squeeze %dma_wait3A_779 : memref<1x128xi32, #tpu.memory_space<vmem>> -> memref<128xi32, #tpu.memory_space<vmem>>
      %dma_wait3A_781 = arith.constant 0 : i32
      %dma_wait3A_782 = arith.constant 0 : i32
      %dma_wait3A_783 = tpu.memref_slice %arg3[%dma_wait3A_781, %dma_wait3A_782] : memref<1000002x64xf32, #tpu.memory_space<hbm>> -> memref<1000002x64xf32, #tpu.memory_space<hbm>>
      %dma_wait3A_784 = tpu.memref_slice %arg7[%dma_wait3A_773] : memref<8x!tpu.dma_semaphore, #tpu.memory_space<semaphore_mem>> -> memref<1x!tpu.dma_semaphore, #tpu.memory_space<semaphore_mem>>
      %dma_wait3A_785 = tpu.memref_squeeze %dma_wait3A_784 : memref<1x!tpu.dma_semaphore, #tpu.memory_space<semaphore_mem>> -> memref<!tpu.dma_semaphore, #tpu.memory_space<semaphore_mem>>
      tpu.wait_indirect_dma semaphore(%dma_wait3A_785 : memref<!tpu.dma_semaphore, #tpu.memory_space<semaphore_mem>>) src(%dma_wait3A_783 : memref<1000002x64xf32, #tpu.memory_space<hbm>>) dst(%dma_wait3A_777 : memref<128x64xf32, #tpu.memory_space<vmem>>)
      %mul3A_786 = arith.constant 128 : i32
      %mul3A_787 = arith.muli %add3A_771, %mul3A_786 : i32
      %add3A_788 = arith.addi %mul3A_4, %mul3A_787 : i32
      %multiple_of3A_789 = tpu.assume_multiple %add3A_788, 128 : i32
      %dma_start3A_790 = arith.constant 6 : i32
      %dma_start3A_791 = arith.constant 6 : i32
      %dma_start3A_792 = arith.constant 0 : i32
      %dma_start3A_793 = arith.constant 0 : i32
      %dma_start3A_794 = tpu.memref_slice %arg6[%dma_start3A_790, %dma_start3A_792, %dma_start3A_793] : memref<8x128x64xf32, #tpu.memory_space<vmem>> -> memref<1x128x64xf32, #tpu.memory_space<vmem>>
      %dma_start3A_795 = tpu.memref_squeeze %dma_start3A_794 : memref<1x128x64xf32, #tpu.memory_space<vmem>> -> memref<128x64xf32, #tpu.memory_space<vmem>>
      %dma_start3A_796 = arith.constant 0 : i32
      %dma_start3A_797 = tpu.memref_slice %arg4[%multiple_of3A_789, %dma_start3A_796] : memref<819200x64xf32, #tpu.memory_space<hbm>> -> memref<128x64xf32, #tpu.memory_space<hbm>>
      %dma_start3A_798 = tpu.memref_slice %arg8[%dma_start3A_791] : memref<8x!tpu.dma_semaphore, #tpu.memory_space<semaphore_mem>> -> memref<1x!tpu.dma_semaphore, #tpu.memory_space<semaphore_mem>>
      %dma_start3A_799 = tpu.memref_squeeze %dma_start3A_798 : memref<1x!tpu.dma_semaphore, #tpu.memory_space<semaphore_mem>> -> memref<!tpu.dma_semaphore, #tpu.memory_space<semaphore_mem>>
      %dma_start3A_800 = arith.constant 0 : i32
      %dma_start3A_801 = tpu.memref_slice %arg4[%multiple_of3A_789, %dma_start3A_800] : memref<819200x64xf32, #tpu.memory_space<hbm>> -> memref<128x64xf32, #tpu.memory_space<hbm>>
      %dma_start3A_802 = arith.constant 0 : i32
      %dma_start3A_803 = arith.constant 0 : i32
      %dma_start3A_804 = tpu.memref_slice %arg6[%dma_start3A_790, %dma_start3A_802, %dma_start3A_803] : memref<8x128x64xf32, #tpu.memory_space<vmem>> -> memref<1x128x64xf32, #tpu.memory_space<vmem>>
      %dma_start3A_805 = tpu.memref_squeeze %dma_start3A_804 : memref<1x128x64xf32, #tpu.memory_space<vmem>> -> memref<128x64xf32, #tpu.memory_space<vmem>>
      tpu.enqueue_dma source(%dma_start3A_805 : memref<128x64xf32, #tpu.memory_space<vmem>>) target(%dma_start3A_801 : memref<128x64xf32, #tpu.memory_space<hbm>>) target_semaphore(%dma_start3A_799 : memref<!tpu.dma_semaphore, #tpu.memory_space<semaphore_mem>>)
      %add3A_806 = arith.constant 7 : i32
      %add3A_807 = arith.addi %mul3A_553, %add3A_806 : i32
      %dma_wait3A_808 = arith.constant 7 : i32
      %dma_wait3A_809 = arith.constant 7 : i32
      %dma_wait3A_810 = arith.constant 0 : i32
      %dma_wait3A_811 = arith.constant 0 : i32
      %dma_wait3A_812 = tpu.memref_slice %arg6[%dma_wait3A_808, %dma_wait3A_810, %dma_wait3A_811] : memref<8x128x64xf32, #tpu.memory_space<vmem>> -> memref<1x128x64xf32, #tpu.memory_space<vmem>>
      %dma_wait3A_813 = tpu.memref_squeeze %dma_wait3A_812 : memref<1x128x64xf32, #tpu.memory_space<vmem>> -> memref<128x64xf32, #tpu.memory_space<vmem>>
      %dma_wait3A_814 = arith.constant 0 : i32
      %dma_wait3A_815 = tpu.memref_slice %arg5[%add3A_807, %dma_wait3A_814] : memref<200x128xi32, #tpu.memory_space<vmem>> -> memref<1x128xi32, #tpu.memory_space<vmem>>
      %dma_wait3A_816 = tpu.memref_squeeze %dma_wait3A_815 : memref<1x128xi32, #tpu.memory_space<vmem>> -> memref<128xi32, #tpu.memory_space<vmem>>
      %dma_wait3A_817 = arith.constant 0 : i32
      %dma_wait3A_818 = arith.constant 0 : i32
      %dma_wait3A_819 = tpu.memref_slice %arg3[%dma_wait3A_817, %dma_wait3A_818] : memref<1000002x64xf32, #tpu.memory_space<hbm>> -> memref<1000002x64xf32, #tpu.memory_space<hbm>>
      %dma_wait3A_820 = tpu.memref_slice %arg7[%dma_wait3A_809] : memref<8x!tpu.dma_semaphore, #tpu.memory_space<semaphore_mem>> -> memref<1x!tpu.dma_semaphore, #tpu.memory_space<semaphore_mem>>
      %dma_wait3A_821 = tpu.memref_squeeze %dma_wait3A_820 : memref<1x!tpu.dma_semaphore, #tpu.memory_space<semaphore_mem>> -> memref<!tpu.dma_semaphore, #tpu.memory_space<semaphore_mem>>
      tpu.wait_indirect_dma semaphore(%dma_wait3A_821 : memref<!tpu.dma_semaphore, #tpu.memory_space<semaphore_mem>>) src(%dma_wait3A_819 : memref<1000002x64xf32, #tpu.memory_space<hbm>>) dst(%dma_wait3A_813 : memref<128x64xf32, #tpu.memory_space<vmem>>)
      %mul3A_822 = arith.constant 128 : i32
      %mul3A_823 = arith.muli %add3A_807, %mul3A_822 : i32
      %add3A_824 = arith.addi %mul3A_4, %mul3A_823 : i32
      %multiple_of3A_825 = tpu.assume_multiple %add3A_824, 128 : i32
      %dma_start3A_826 = arith.constant 7 : i32
      %dma_start3A_827 = arith.constant 7 : i32
      %dma_start3A_828 = arith.constant 0 : i32
      %dma_start3A_829 = arith.constant 0 : i32
      %dma_start3A_830 = tpu.memref_slice %arg6[%dma_start3A_826, %dma_start3A_828, %dma_start3A_829] : memref<8x128x64xf32, #tpu.memory_space<vmem>> -> memref<1x128x64xf32, #tpu.memory_space<vmem>>
      %dma_start3A_831 = tpu.memref_squeeze %dma_start3A_830 : memref<1x128x64xf32, #tpu.memory_space<vmem>> -> memref<128x64xf32, #tpu.memory_space<vmem>>
      %dma_start3A_832 = arith.constant 0 : i32
      %dma_start3A_833 = tpu.memref_slice %arg4[%multiple_of3A_825, %dma_start3A_832] : memref<819200x64xf32, #tpu.memory_space<hbm>> -> memref<128x64xf32, #tpu.memory_space<hbm>>
      %dma_start3A_834 = tpu.memref_slice %arg8[%dma_start3A_827] : memref<8x!tpu.dma_semaphore, #tpu.memory_space<semaphore_mem>> -> memref<1x!tpu.dma_semaphore, #tpu.memory_space<semaphore_mem>>
      %dma_start3A_835 = tpu.memref_squeeze %dma_start3A_834 : memref<1x!tpu.dma_semaphore, #tpu.memory_space<semaphore_mem>> -> memref<!tpu.dma_semaphore, #tpu.memory_space<semaphore_mem>>
      %dma_start3A_836 = arith.constant 0 : i32
      %dma_start3A_837 = tpu.memref_slice %arg4[%multiple_of3A_825, %dma_start3A_836] : memref<819200x64xf32, #tpu.memory_space<hbm>> -> memref<128x64xf32, #tpu.memory_space<hbm>>
      %dma_start3A_838 = arith.constant 0 : i32
      %dma_start3A_839 = arith.constant 0 : i32
      %dma_start3A_840 = tpu.memref_slice %arg6[%dma_start3A_826, %dma_start3A_838, %dma_start3A_839] : memref<8x128x64xf32, #tpu.memory_space<vmem>> -> memref<1x128x64xf32, #tpu.memory_space<vmem>>
      %dma_start3A_841 = tpu.memref_squeeze %dma_start3A_840 : memref<1x128x64xf32, #tpu.memory_space<vmem>> -> memref<128x64xf32, #tpu.memory_space<vmem>>
      tpu.enqueue_dma source(%dma_start3A_841 : memref<128x64xf32, #tpu.memory_space<vmem>>) target(%dma_start3A_837 : memref<128x64xf32, #tpu.memory_space<hbm>>) target_semaphore(%dma_start3A_835 : memref<!tpu.dma_semaphore, #tpu.memory_space<semaphore_mem>>)
      %add3A_842 = arith.constant 8 : i32
      %add3A_843 = arith.addi %mul3A_553, %add3A_842 : i32
      %add3A_844 = arith.constant 0 : i32
      %add3A_845 = arith.addi %add3A_843, %add3A_844 : i32
      %add3A_846 = arith.constant 0 : i32
      %add3A_847 = arith.addi %mul3A_553, %add3A_846 : i32
      %mul3A_848 = arith.constant 128 : i32
      %mul3A_849 = arith.muli %add3A_847, %mul3A_848 : i32
      %add3A_850 = arith.addi %mul3A_4, %mul3A_849 : i32
      %multiple_of3A_851 = tpu.assume_multiple %add3A_850, 128 : i32
      %dma_wait3A_852 = arith.constant 0 : i32
      %dma_wait3A_853 = arith.constant 0 : i32
      %dma_wait3A_854 = arith.constant 0 : i32
      %dma_wait3A_855 = arith.constant 0 : i32
      %dma_wait3A_856 = tpu.memref_slice %arg6[%dma_wait3A_852, %dma_wait3A_854, %dma_wait3A_855] : memref<8x128x64xf32, #tpu.memory_space<vmem>> -> memref<1x128x64xf32, #tpu.memory_space<vmem>>
      %dma_wait3A_857 = tpu.memref_squeeze %dma_wait3A_856 : memref<1x128x64xf32, #tpu.memory_space<vmem>> -> memref<128x64xf32, #tpu.memory_space<vmem>>
      %dma_wait3A_858 = arith.constant 0 : i32
      %dma_wait3A_859 = tpu.memref_slice %arg4[%multiple_of3A_851, %dma_wait3A_858] : memref<819200x64xf32, #tpu.memory_space<hbm>> -> memref<128x64xf32, #tpu.memory_space<hbm>>
      %dma_wait3A_860 = tpu.memref_slice %arg8[%dma_wait3A_853] : memref<8x!tpu.dma_semaphore, #tpu.memory_space<semaphore_mem>> -> memref<1x!tpu.dma_semaphore, #tpu.memory_space<semaphore_mem>>
      %dma_wait3A_861 = tpu.memref_squeeze %dma_wait3A_860 : memref<1x!tpu.dma_semaphore, #tpu.memory_space<semaphore_mem>> -> memref<!tpu.dma_semaphore, #tpu.memory_space<semaphore_mem>>
      %dma_wait3A_862 = arith.constant 0 : i32
      %dma_wait3A_863 = tpu.memref_slice %arg4[%multiple_of3A_851, %dma_wait3A_862] : memref<819200x64xf32, #tpu.memory_space<hbm>> -> memref<128x64xf32, #tpu.memory_space<hbm>>
      %dma_wait3A_864 = arith.constant 0 : i32
      %dma_wait3A_865 = arith.constant 0 : i32
      %dma_wait3A_866 = tpu.memref_slice %arg6[%dma_wait3A_852, %dma_wait3A_864, %dma_wait3A_865] : memref<8x128x64xf32, #tpu.memory_space<vmem>> -> memref<1x128x64xf32, #tpu.memory_space<vmem>>
      %dma_wait3A_867 = tpu.memref_squeeze %dma_wait3A_866 : memref<1x128x64xf32, #tpu.memory_space<vmem>> -> memref<128x64xf32, #tpu.memory_space<vmem>>
      tpu.wait_dma2 semaphore(%dma_wait3A_861 : memref<!tpu.dma_semaphore, #tpu.memory_space<semaphore_mem>>) src(%dma_wait3A_867 : memref<128x64xf32, #tpu.memory_space<vmem>>) dst(%dma_wait3A_863 : memref<128x64xf32, #tpu.memory_space<hbm>>)
      %dma_start3A_868 = arith.constant 0 : i32
      %dma_start3A_869 = arith.constant 0 : i32
      %dma_start3A_870 = arith.constant 0 : i32
      %dma_start3A_871 = arith.constant 0 : i32
      %dma_start3A_872 = tpu.memref_slice %arg6[%dma_start3A_868, %dma_start3A_870, %dma_start3A_871] : memref<8x128x64xf32, #tpu.memory_space<vmem>> -> memref<1x128x64xf32, #tpu.memory_space<vmem>>
      %dma_start3A_873 = tpu.memref_squeeze %dma_start3A_872 : memref<1x128x64xf32, #tpu.memory_space<vmem>> -> memref<128x64xf32, #tpu.memory_space<vmem>>
      %dma_start3A_874 = arith.constant 0 : i32
      %dma_start3A_875 = tpu.memref_slice %arg5[%add3A_845, %dma_start3A_874] : memref<200x128xi32, #tpu.memory_space<vmem>> -> memref<1x128xi32, #tpu.memory_space<vmem>>
      %dma_start3A_876 = tpu.memref_squeeze %dma_start3A_875 : memref<1x128xi32, #tpu.memory_space<vmem>> -> memref<128xi32, #tpu.memory_space<vmem>>
      %dma_start3A_877 = arith.constant 0 : i32
      %dma_start3A_878 = arith.constant 0 : i32
      %dma_start3A_879 = tpu.memref_slice %arg3[%dma_start3A_877, %dma_start3A_878] : memref<1000002x64xf32, #tpu.memory_space<hbm>> -> memref<1000002x64xf32, #tpu.memory_space<hbm>>
      %dma_start3A_880 = tpu.memref_slice %arg7[%dma_start3A_869] : memref<8x!tpu.dma_semaphore, #tpu.memory_space<semaphore_mem>> -> memref<1x!tpu.dma_semaphore, #tpu.memory_space<semaphore_mem>>
      %dma_start3A_881 = tpu.memref_squeeze %dma_start3A_880 : memref<1x!tpu.dma_semaphore, #tpu.memory_space<semaphore_mem>> -> memref<!tpu.dma_semaphore, #tpu.memory_space<semaphore_mem>>
      tpu.enqueue_indirect_dma source(%dma_start3A_879 : memref<1000002x64xf32, #tpu.memory_space<hbm>>) target(%dma_start3A_873 : memref<128x64xf32, #tpu.memory_space<vmem>>) offsets(%dma_start3A_876 : memref<128xi32, #tpu.memory_space<vmem>>) semaphore(%dma_start3A_881 : memref<!tpu.dma_semaphore, #tpu.memory_space<semaphore_mem>>)
      %add3A_882 = arith.constant 8 : i32
      %add3A_883 = arith.addi %mul3A_553, %add3A_882 : i32
      %add3A_884 = arith.constant 1 : i32
      %add3A_885 = arith.addi %add3A_883, %add3A_884 : i32
      %add3A_886 = arith.constant 1 : i32
      %add3A_887 = arith.addi %mul3A_553, %add3A_886 : i32
      %mul3A_888 = arith.constant 128 : i32
      %mul3A_889 = arith.muli %add3A_887, %mul3A_888 : i32
      %add3A_890 = arith.addi %mul3A_4, %mul3A_889 : i32
      %multiple_of3A_891 = tpu.assume_multiple %add3A_890, 128 : i32
      %dma_wait3A_892 = arith.constant 1 : i32
      %dma_wait3A_893 = arith.constant 1 : i32
      %dma_wait3A_894 = arith.constant 0 : i32
      %dma_wait3A_895 = arith.constant 0 : i32
      %dma_wait3A_896 = tpu.memref_slice %arg6[%dma_wait3A_892, %dma_wait3A_894, %dma_wait3A_895] : memref<8x128x64xf32, #tpu.memory_space<vmem>> -> memref<1x128x64xf32, #tpu.memory_space<vmem>>
      %dma_wait3A_897 = tpu.memref_squeeze %dma_wait3A_896 : memref<1x128x64xf32, #tpu.memory_space<vmem>> -> memref<128x64xf32, #tpu.memory_space<vmem>>
      %dma_wait3A_898 = arith.constant 0 : i32
      %dma_wait3A_899 = tpu.memref_slice %arg4[%multiple_of3A_891, %dma_wait3A_898] : memref<819200x64xf32, #tpu.memory_space<hbm>> -> memref<128x64xf32, #tpu.memory_space<hbm>>
      %dma_wait3A_900 = tpu.memref_slice %arg8[%dma_wait3A_893] : memref<8x!tpu.dma_semaphore, #tpu.memory_space<semaphore_mem>> -> memref<1x!tpu.dma_semaphore, #tpu.memory_space<semaphore_mem>>
      %dma_wait3A_901 = tpu.memref_squeeze %dma_wait3A_900 : memref<1x!tpu.dma_semaphore, #tpu.memory_space<semaphore_mem>> -> memref<!tpu.dma_semaphore, #tpu.memory_space<semaphore_mem>>
      %dma_wait3A_902 = arith.constant 0 : i32
      %dma_wait3A_903 = tpu.memref_slice %arg4[%multiple_of3A_891, %dma_wait3A_902] : memref<819200x64xf32, #tpu.memory_space<hbm>> -> memref<128x64xf32, #tpu.memory_space<hbm>>
      %dma_wait3A_904 = arith.constant 0 : i32
      %dma_wait3A_905 = arith.constant 0 : i32
      %dma_wait3A_906 = tpu.memref_slice %arg6[%dma_wait3A_892, %dma_wait3A_904, %dma_wait3A_905] : memref<8x128x64xf32, #tpu.memory_space<vmem>> -> memref<1x128x64xf32, #tpu.memory_space<vmem>>
      %dma_wait3A_907 = tpu.memref_squeeze %dma_wait3A_906 : memref<1x128x64xf32, #tpu.memory_space<vmem>> -> memref<128x64xf32, #tpu.memory_space<vmem>>
      tpu.wait_dma2 semaphore(%dma_wait3A_901 : memref<!tpu.dma_semaphore, #tpu.memory_space<semaphore_mem>>) src(%dma_wait3A_907 : memref<128x64xf32, #tpu.memory_space<vmem>>) dst(%dma_wait3A_903 : memref<128x64xf32, #tpu.memory_space<hbm>>)
      %dma_start3A_908 = arith.constant 1 : i32
      %dma_start3A_909 = arith.constant 1 : i32
      %dma_start3A_910 = arith.constant 0 : i32
      %dma_start3A_911 = arith.constant 0 : i32
      %dma_start3A_912 = tpu.memref_slice %arg6[%dma_start3A_908, %dma_start3A_910, %dma_start3A_911] : memref<8x128x64xf32, #tpu.memory_space<vmem>> -> memref<1x128x64xf32, #tpu.memory_space<vmem>>
      %dma_start3A_913 = tpu.memref_squeeze %dma_start3A_912 : memref<1x128x64xf32, #tpu.memory_space<vmem>> -> memref<128x64xf32, #tpu.memory_space<vmem>>
      %dma_start3A_914 = arith.constant 0 : i32
      %dma_start3A_915 = tpu.memref_slice %arg5[%add3A_885, %dma_start3A_914] : memref<200x128xi32, #tpu.memory_space<vmem>> -> memref<1x128xi32, #tpu.memory_space<vmem>>
      %dma_start3A_916 = tpu.memref_squeeze %dma_start3A_915 : memref<1x128xi32, #tpu.memory_space<vmem>> -> memref<128xi32, #tpu.memory_space<vmem>>
      %dma_start3A_917 = arith.constant 0 : i32
      %dma_start3A_918 = arith.constant 0 : i32
      %dma_start3A_919 = tpu.memref_slice %arg3[%dma_start3A_917, %dma_start3A_918] : memref<1000002x64xf32, #tpu.memory_space<hbm>> -> memref<1000002x64xf32, #tpu.memory_space<hbm>>
      %dma_start3A_920 = tpu.memref_slice %arg7[%dma_start3A_909] : memref<8x!tpu.dma_semaphore, #tpu.memory_space<semaphore_mem>> -> memref<1x!tpu.dma_semaphore, #tpu.memory_space<semaphore_mem>>
      %dma_start3A_921 = tpu.memref_squeeze %dma_start3A_920 : memref<1x!tpu.dma_semaphore, #tpu.memory_space<semaphore_mem>> -> memref<!tpu.dma_semaphore, #tpu.memory_space<semaphore_mem>>
      tpu.enqueue_indirect_dma source(%dma_start3A_919 : memref<1000002x64xf32, #tpu.memory_space<hbm>>) target(%dma_start3A_913 : memref<128x64xf32, #tpu.memory_space<vmem>>) offsets(%dma_start3A_916 : memref<128xi32, #tpu.memory_space<vmem>>) semaphore(%dma_start3A_921 : memref<!tpu.dma_semaphore, #tpu.memory_space<semaphore_mem>>)
      %add3A_922 = arith.constant 8 : i32
      %add3A_923 = arith.addi %mul3A_553, %add3A_922 : i32
      %add3A_924 = arith.constant 2 : i32
      %add3A_925 = arith.addi %add3A_923, %add3A_924 : i32
      %add3A_926 = arith.constant 2 : i32
      %add3A_927 = arith.addi %mul3A_553, %add3A_926 : i32
      %mul3A_928 = arith.constant 128 : i32
      %mul3A_929 = arith.muli %add3A_927, %mul3A_928 : i32
      %add3A_930 = arith.addi %mul3A_4, %mul3A_929 : i32
      %multiple_of3A_931 = tpu.assume_multiple %add3A_930, 128 : i32
      %dma_wait3A_932 = arith.constant 2 : i32
      %dma_wait3A_933 = arith.constant 2 : i32
      %dma_wait3A_934 = arith.constant 0 : i32
      %dma_wait3A_935 = arith.constant 0 : i32
      %dma_wait3A_936 = tpu.memref_slice %arg6[%dma_wait3A_932, %dma_wait3A_934, %dma_wait3A_935] : memref<8x128x64xf32, #tpu.memory_space<vmem>> -> memref<1x128x64xf32, #tpu.memory_space<vmem>>
      %dma_wait3A_937 = tpu.memref_squeeze %dma_wait3A_936 : memref<1x128x64xf32, #tpu.memory_space<vmem>> -> memref<128x64xf32, #tpu.memory_space<vmem>>
      %dma_wait3A_938 = arith.constant 0 : i32
      %dma_wait3A_939 = tpu.memref_slice %arg4[%multiple_of3A_931, %dma_wait3A_938] : memref<819200x64xf32, #tpu.memory_space<hbm>> -> memref<128x64xf32, #tpu.memory_space<hbm>>
      %dma_wait3A_940 = tpu.memref_slice %arg8[%dma_wait3A_933] : memref<8x!tpu.dma_semaphore, #tpu.memory_space<semaphore_mem>> -> memref<1x!tpu.dma_semaphore, #tpu.memory_space<semaphore_mem>>
      %dma_wait3A_941 = tpu.memref_squeeze %dma_wait3A_940 : memref<1x!tpu.dma_semaphore, #tpu.memory_space<semaphore_mem>> -> memref<!tpu.dma_semaphore, #tpu.memory_space<semaphore_mem>>
      %dma_wait3A_942 = arith.constant 0 : i32
      %dma_wait3A_943 = tpu.memref_slice %arg4[%multiple_of3A_931, %dma_wait3A_942] : memref<819200x64xf32, #tpu.memory_space<hbm>> -> memref<128x64xf32, #tpu.memory_space<hbm>>
      %dma_wait3A_944 = arith.constant 0 : i32
      %dma_wait3A_945 = arith.constant 0 : i32
      %dma_wait3A_946 = tpu.memref_slice %arg6[%dma_wait3A_932, %dma_wait3A_944, %dma_wait3A_945] : memref<8x128x64xf32, #tpu.memory_space<vmem>> -> memref<1x128x64xf32, #tpu.memory_space<vmem>>
      %dma_wait3A_947 = tpu.memref_squeeze %dma_wait3A_946 : memref<1x128x64xf32, #tpu.memory_space<vmem>> -> memref<128x64xf32, #tpu.memory_space<vmem>>
      tpu.wait_dma2 semaphore(%dma_wait3A_941 : memref<!tpu.dma_semaphore, #tpu.memory_space<semaphore_mem>>) src(%dma_wait3A_947 : memref<128x64xf32, #tpu.memory_space<vmem>>) dst(%dma_wait3A_943 : memref<128x64xf32, #tpu.memory_space<hbm>>)
      %dma_start3A_948 = arith.constant 2 : i32
      %dma_start3A_949 = arith.constant 2 : i32
      %dma_start3A_950 = arith.constant 0 : i32
      %dma_start3A_951 = arith.constant 0 : i32
      %dma_start3A_952 = tpu.memref_slice %arg6[%dma_start3A_948, %dma_start3A_950, %dma_start3A_951] : memref<8x128x64xf32, #tpu.memory_space<vmem>> -> memref<1x128x64xf32, #tpu.memory_space<vmem>>
      %dma_start3A_953 = tpu.memref_squeeze %dma_start3A_952 : memref<1x128x64xf32, #tpu.memory_space<vmem>> -> memref<128x64xf32, #tpu.memory_space<vmem>>
      %dma_start3A_954 = arith.constant 0 : i32
      %dma_start3A_955 = tpu.memref_slice %arg5[%add3A_925, %dma_start3A_954] : memref<200x128xi32, #tpu.memory_space<vmem>> -> memref<1x128xi32, #tpu.memory_space<vmem>>
      %dma_start3A_956 = tpu.memref_squeeze %dma_start3A_955 : memref<1x128xi32, #tpu.memory_space<vmem>> -> memref<128xi32, #tpu.memory_space<vmem>>
      %dma_start3A_957 = arith.constant 0 : i32
      %dma_start3A_958 = arith.constant 0 : i32
      %dma_start3A_959 = tpu.memref_slice %arg3[%dma_start3A_957, %dma_start3A_958] : memref<1000002x64xf32, #tpu.memory_space<hbm>> -> memref<1000002x64xf32, #tpu.memory_space<hbm>>
      %dma_start3A_960 = tpu.memref_slice %arg7[%dma_start3A_949] : memref<8x!tpu.dma_semaphore, #tpu.memory_space<semaphore_mem>> -> memref<1x!tpu.dma_semaphore, #tpu.memory_space<semaphore_mem>>
      %dma_start3A_961 = tpu.memref_squeeze %dma_start3A_960 : memref<1x!tpu.dma_semaphore, #tpu.memory_space<semaphore_mem>> -> memref<!tpu.dma_semaphore, #tpu.memory_space<semaphore_mem>>
      tpu.enqueue_indirect_dma source(%dma_start3A_959 : memref<1000002x64xf32, #tpu.memory_space<hbm>>) target(%dma_start3A_953 : memref<128x64xf32, #tpu.memory_space<vmem>>) offsets(%dma_start3A_956 : memref<128xi32, #tpu.memory_space<vmem>>) semaphore(%dma_start3A_961 : memref<!tpu.dma_semaphore, #tpu.memory_space<semaphore_mem>>)
      %add3A_962 = arith.constant 8 : i32
      %add3A_963 = arith.addi %mul3A_553, %add3A_962 : i32
      %add3A_964 = arith.constant 3 : i32
      %add3A_965 = arith.addi %add3A_963, %add3A_964 : i32
      %add3A_966 = arith.constant 3 : i32
      %add3A_967 = arith.addi %mul3A_553, %add3A_966 : i32
      %mul3A_968 = arith.constant 128 : i32
      %mul3A_969 = arith.muli %add3A_967, %mul3A_968 : i32
      %add3A_970 = arith.addi %mul3A_4, %mul3A_969 : i32
      %multiple_of3A_971 = tpu.assume_multiple %add3A_970, 128 : i32
      %dma_wait3A_972 = arith.constant 3 : i32
      %dma_wait3A_973 = arith.constant 3 : i32
      %dma_wait3A_974 = arith.constant 0 : i32
      %dma_wait3A_975 = arith.constant 0 : i32
      %dma_wait3A_976 = tpu.memref_slice %arg6[%dma_wait3A_972, %dma_wait3A_974, %dma_wait3A_975] : memref<8x128x64xf32, #tpu.memory_space<vmem>> -> memref<1x128x64xf32, #tpu.memory_space<vmem>>
      %dma_wait3A_977 = tpu.memref_squeeze %dma_wait3A_976 : memref<1x128x64xf32, #tpu.memory_space<vmem>> -> memref<128x64xf32, #tpu.memory_space<vmem>>
      %dma_wait3A_978 = arith.constant 0 : i32
      %dma_wait3A_979 = tpu.memref_slice %arg4[%multiple_of3A_971, %dma_wait3A_978] : memref<819200x64xf32, #tpu.memory_space<hbm>> -> memref<128x64xf32, #tpu.memory_space<hbm>>
      %dma_wait3A_980 = tpu.memref_slice %arg8[%dma_wait3A_973] : memref<8x!tpu.dma_semaphore, #tpu.memory_space<semaphore_mem>> -> memref<1x!tpu.dma_semaphore, #tpu.memory_space<semaphore_mem>>
      %dma_wait3A_981 = tpu.memref_squeeze %dma_wait3A_980 : memref<1x!tpu.dma_semaphore, #tpu.memory_space<semaphore_mem>> -> memref<!tpu.dma_semaphore, #tpu.memory_space<semaphore_mem>>
      %dma_wait3A_982 = arith.constant 0 : i32
      %dma_wait3A_983 = tpu.memref_slice %arg4[%multiple_of3A_971, %dma_wait3A_982] : memref<819200x64xf32, #tpu.memory_space<hbm>> -> memref<128x64xf32, #tpu.memory_space<hbm>>
      %dma_wait3A_984 = arith.constant 0 : i32
      %dma_wait3A_985 = arith.constant 0 : i32
      %dma_wait3A_986 = tpu.memref_slice %arg6[%dma_wait3A_972, %dma_wait3A_984, %dma_wait3A_985] : memref<8x128x64xf32, #tpu.memory_space<vmem>> -> memref<1x128x64xf32, #tpu.memory_space<vmem>>
      %dma_wait3A_987 = tpu.memref_squeeze %dma_wait3A_986 : memref<1x128x64xf32, #tpu.memory_space<vmem>> -> memref<128x64xf32, #tpu.memory_space<vmem>>
      tpu.wait_dma2 semaphore(%dma_wait3A_981 : memref<!tpu.dma_semaphore, #tpu.memory_space<semaphore_mem>>) src(%dma_wait3A_987 : memref<128x64xf32, #tpu.memory_space<vmem>>) dst(%dma_wait3A_983 : memref<128x64xf32, #tpu.memory_space<hbm>>)
      %dma_start3A_988 = arith.constant 3 : i32
      %dma_start3A_989 = arith.constant 3 : i32
      %dma_start3A_990 = arith.constant 0 : i32
      %dma_start3A_991 = arith.constant 0 : i32
      %dma_start3A_992 = tpu.memref_slice %arg6[%dma_start3A_988, %dma_start3A_990, %dma_start3A_991] : memref<8x128x64xf32, #tpu.memory_space<vmem>> -> memref<1x128x64xf32, #tpu.memory_space<vmem>>
      %dma_start3A_993 = tpu.memref_squeeze %dma_start3A_992 : memref<1x128x64xf32, #tpu.memory_space<vmem>> -> memref<128x64xf32, #tpu.memory_space<vmem>>
      %dma_start3A_994 = arith.constant 0 : i32
      %dma_start3A_995 = tpu.memref_slice %arg5[%add3A_965, %dma_start3A_994] : memref<200x128xi32, #tpu.memory_space<vmem>> -> memref<1x128xi32, #tpu.memory_space<vmem>>
      %dma_start3A_996 = tpu.memref_squeeze %dma_start3A_995 : memref<1x128xi32, #tpu.memory_space<vmem>> -> memref<128xi32, #tpu.memory_space<vmem>>
      %dma_start3A_997 = arith.constant 0 : i32
      %dma_start3A_998 = arith.constant 0 : i32
      %dma_start3A_999 = tpu.memref_slice %arg3[%dma_start3A_997, %dma_start3A_998] : memref<1000002x64xf32, #tpu.memory_space<hbm>> -> memref<1000002x64xf32, #tpu.memory_space<hbm>>
      %dma_start3A_1000 = tpu.memref_slice %arg7[%dma_start3A_989] : memref<8x!tpu.dma_semaphore, #tpu.memory_space<semaphore_mem>> -> memref<1x!tpu.dma_semaphore, #tpu.memory_space<semaphore_mem>>
      %dma_start3A_1001 = tpu.memref_squeeze %dma_start3A_1000 : memref<1x!tpu.dma_semaphore, #tpu.memory_space<semaphore_mem>> -> memref<!tpu.dma_semaphore, #tpu.memory_space<semaphore_mem>>
      tpu.enqueue_indirect_dma source(%dma_start3A_999 : memref<1000002x64xf32, #tpu.memory_space<hbm>>) target(%dma_start3A_993 : memref<128x64xf32, #tpu.memory_space<vmem>>) offsets(%dma_start3A_996 : memref<128xi32, #tpu.memory_space<vmem>>) semaphore(%dma_start3A_1001 : memref<!tpu.dma_semaphore, #tpu.memory_space<semaphore_mem>>)
      %add3A_1002 = arith.constant 8 : i32
      %add3A_1003 = arith.addi %mul3A_553, %add3A_1002 : i32
      %add3A_1004 = arith.constant 4 : i32
      %add3A_1005 = arith.addi %add3A_1003, %add3A_1004 : i32
      %add3A_1006 = arith.constant 4 : i32
      %add3A_1007 = arith.addi %mul3A_553, %add3A_1006 : i32
      %mul3A_1008 = arith.constant 128 : i32
      %mul3A_1009 = arith.muli %add3A_1007, %mul3A_1008 : i32
      %add3A_1010 = arith.addi %mul3A_4, %mul3A_1009 : i32
      %multiple_of3A_1011 = tpu.assume_multiple %add3A_1010, 128 : i32
      %dma_wait3A_1012 = arith.constant 4 : i32
      %dma_wait3A_1013 = arith.constant 4 : i32
      %dma_wait3A_1014 = arith.constant 0 : i32
      %dma_wait3A_1015 = arith.constant 0 : i32
      %dma_wait3A_1016 = tpu.memref_slice %arg6[%dma_wait3A_1012, %dma_wait3A_1014, %dma_wait3A_1015] : memref<8x128x64xf32, #tpu.memory_space<vmem>> -> memref<1x128x64xf32, #tpu.memory_space<vmem>>
      %dma_wait3A_1017 = tpu.memref_squeeze %dma_wait3A_1016 : memref<1x128x64xf32, #tpu.memory_space<vmem>> -> memref<128x64xf32, #tpu.memory_space<vmem>>
      %dma_wait3A_1018 = arith.constant 0 : i32
      %dma_wait3A_1019 = tpu.memref_slice %arg4[%multiple_of3A_1011, %dma_wait3A_1018] : memref<819200x64xf32, #tpu.memory_space<hbm>> -> memref<128x64xf32, #tpu.memory_space<hbm>>
      %dma_wait3A_1020 = tpu.memref_slice %arg8[%dma_wait3A_1013] : memref<8x!tpu.dma_semaphore, #tpu.memory_space<semaphore_mem>> -> memref<1x!tpu.dma_semaphore, #tpu.memory_space<semaphore_mem>>
      %dma_wait3A_1021 = tpu.memref_squeeze %dma_wait3A_1020 : memref<1x!tpu.dma_semaphore, #tpu.memory_space<semaphore_mem>> -> memref<!tpu.dma_semaphore, #tpu.memory_space<semaphore_mem>>
      %dma_wait3A_1022 = arith.constant 0 : i32
      %dma_wait3A_1023 = tpu.memref_slice %arg4[%multiple_of3A_1011, %dma_wait3A_1022] : memref<819200x64xf32, #tpu.memory_space<hbm>> -> memref<128x64xf32, #tpu.memory_space<hbm>>
      %dma_wait3A_1024 = arith.constant 0 : i32
      %dma_wait3A_1025 = arith.constant 0 : i32
      %dma_wait3A_1026 = tpu.memref_slice %arg6[%dma_wait3A_1012, %dma_wait3A_1024, %dma_wait3A_1025] : memref<8x128x64xf32, #tpu.memory_space<vmem>> -> memref<1x128x64xf32, #tpu.memory_space<vmem>>
      %dma_wait3A_1027 = tpu.memref_squeeze %dma_wait3A_1026 : memref<1x128x64xf32, #tpu.memory_space<vmem>> -> memref<128x64xf32, #tpu.memory_space<vmem>>
      tpu.wait_dma2 semaphore(%dma_wait3A_1021 : memref<!tpu.dma_semaphore, #tpu.memory_space<semaphore_mem>>) src(%dma_wait3A_1027 : memref<128x64xf32, #tpu.memory_space<vmem>>) dst(%dma_wait3A_1023 : memref<128x64xf32, #tpu.memory_space<hbm>>)
      %dma_start3A_1028 = arith.constant 4 : i32
      %dma_start3A_1029 = arith.constant 4 : i32
      %dma_start3A_1030 = arith.constant 0 : i32
      %dma_start3A_1031 = arith.constant 0 : i32
      %dma_start3A_1032 = tpu.memref_slice %arg6[%dma_start3A_1028, %dma_start3A_1030, %dma_start3A_1031] : memref<8x128x64xf32, #tpu.memory_space<vmem>> -> memref<1x128x64xf32, #tpu.memory_space<vmem>>
      %dma_start3A_1033 = tpu.memref_squeeze %dma_start3A_1032 : memref<1x128x64xf32, #tpu.memory_space<vmem>> -> memref<128x64xf32, #tpu.memory_space<vmem>>
      %dma_start3A_1034 = arith.constant 0 : i32
      %dma_start3A_1035 = tpu.memref_slice %arg5[%add3A_1005, %dma_start3A_1034] : memref<200x128xi32, #tpu.memory_space<vmem>> -> memref<1x128xi32, #tpu.memory_space<vmem>>
      %dma_start3A_1036 = tpu.memref_squeeze %dma_start3A_1035 : memref<1x128xi32, #tpu.memory_space<vmem>> -> memref<128xi32, #tpu.memory_space<vmem>>
      %dma_start3A_1037 = arith.constant 0 : i32
      %dma_start3A_1038 = arith.constant 0 : i32
      %dma_start3A_1039 = tpu.memref_slice %arg3[%dma_start3A_1037, %dma_start3A_1038] : memref<1000002x64xf32, #tpu.memory_space<hbm>> -> memref<1000002x64xf32, #tpu.memory_space<hbm>>
      %dma_start3A_1040 = tpu.memref_slice %arg7[%dma_start3A_1029] : memref<8x!tpu.dma_semaphore, #tpu.memory_space<semaphore_mem>> -> memref<1x!tpu.dma_semaphore, #tpu.memory_space<semaphore_mem>>
      %dma_start3A_1041 = tpu.memref_squeeze %dma_start3A_1040 : memref<1x!tpu.dma_semaphore, #tpu.memory_space<semaphore_mem>> -> memref<!tpu.dma_semaphore, #tpu.memory_space<semaphore_mem>>
      tpu.enqueue_indirect_dma source(%dma_start3A_1039 : memref<1000002x64xf32, #tpu.memory_space<hbm>>) target(%dma_start3A_1033 : memref<128x64xf32, #tpu.memory_space<vmem>>) offsets(%dma_start3A_1036 : memref<128xi32, #tpu.memory_space<vmem>>) semaphore(%dma_start3A_1041 : memref<!tpu.dma_semaphore, #tpu.memory_space<semaphore_mem>>)
      %add3A_1042 = arith.constant 8 : i32
      %add3A_1043 = arith.addi %mul3A_553, %add3A_1042 : i32
      %add3A_1044 = arith.constant 5 : i32
      %add3A_1045 = arith.addi %add3A_1043, %add3A_1044 : i32
      %add3A_1046 = arith.constant 5 : i32
      %add3A_1047 = arith.addi %mul3A_553, %add3A_1046 : i32
      %mul3A_1048 = arith.constant 128 : i32
      %mul3A_1049 = arith.muli %add3A_1047, %mul3A_1048 : i32
      %add3A_1050 = arith.addi %mul3A_4, %mul3A_1049 : i32
      %multiple_of3A_1051 = tpu.assume_multiple %add3A_1050, 128 : i32
      %dma_wait3A_1052 = arith.constant 5 : i32
      %dma_wait3A_1053 = arith.constant 5 : i32
      %dma_wait3A_1054 = arith.constant 0 : i32
      %dma_wait3A_1055 = arith.constant 0 : i32
      %dma_wait3A_1056 = tpu.memref_slice %arg6[%dma_wait3A_1052, %dma_wait3A_1054, %dma_wait3A_1055] : memref<8x128x64xf32, #tpu.memory_space<vmem>> -> memref<1x128x64xf32, #tpu.memory_space<vmem>>
      %dma_wait3A_1057 = tpu.memref_squeeze %dma_wait3A_1056 : memref<1x128x64xf32, #tpu.memory_space<vmem>> -> memref<128x64xf32, #tpu.memory_space<vmem>>
      %dma_wait3A_1058 = arith.constant 0 : i32
      %dma_wait3A_1059 = tpu.memref_slice %arg4[%multiple_of3A_1051, %dma_wait3A_1058] : memref<819200x64xf32, #tpu.memory_space<hbm>> -> memref<128x64xf32, #tpu.memory_space<hbm>>
      %dma_wait3A_1060 = tpu.memref_slice %arg8[%dma_wait3A_1053] : memref<8x!tpu.dma_semaphore, #tpu.memory_space<semaphore_mem>> -> memref<1x!tpu.dma_semaphore, #tpu.memory_space<semaphore_mem>>
      %dma_wait3A_1061 = tpu.memref_squeeze %dma_wait3A_1060 : memref<1x!tpu.dma_semaphore, #tpu.memory_space<semaphore_mem>> -> memref<!tpu.dma_semaphore, #tpu.memory_space<semaphore_mem>>
      %dma_wait3A_1062 = arith.constant 0 : i32
      %dma_wait3A_1063 = tpu.memref_slice %arg4[%multiple_of3A_1051, %dma_wait3A_1062] : memref<819200x64xf32, #tpu.memory_space<hbm>> -> memref<128x64xf32, #tpu.memory_space<hbm>>
      %dma_wait3A_1064 = arith.constant 0 : i32
      %dma_wait3A_1065 = arith.constant 0 : i32
      %dma_wait3A_1066 = tpu.memref_slice %arg6[%dma_wait3A_1052, %dma_wait3A_1064, %dma_wait3A_1065] : memref<8x128x64xf32, #tpu.memory_space<vmem>> -> memref<1x128x64xf32, #tpu.memory_space<vmem>>
      %dma_wait3A_1067 = tpu.memref_squeeze %dma_wait3A_1066 : memref<1x128x64xf32, #tpu.memory_space<vmem>> -> memref<128x64xf32, #tpu.memory_space<vmem>>
      tpu.wait_dma2 semaphore(%dma_wait3A_1061 : memref<!tpu.dma_semaphore, #tpu.memory_space<semaphore_mem>>) src(%dma_wait3A_1067 : memref<128x64xf32, #tpu.memory_space<vmem>>) dst(%dma_wait3A_1063 : memref<128x64xf32, #tpu.memory_space<hbm>>)
      %dma_start3A_1068 = arith.constant 5 : i32
      %dma_start3A_1069 = arith.constant 5 : i32
      %dma_start3A_1070 = arith.constant 0 : i32
      %dma_start3A_1071 = arith.constant 0 : i32
      %dma_start3A_1072 = tpu.memref_slice %arg6[%dma_start3A_1068, %dma_start3A_1070, %dma_start3A_1071] : memref<8x128x64xf32, #tpu.memory_space<vmem>> -> memref<1x128x64xf32, #tpu.memory_space<vmem>>
      %dma_start3A_1073 = tpu.memref_squeeze %dma_start3A_1072 : memref<1x128x64xf32, #tpu.memory_space<vmem>> -> memref<128x64xf32, #tpu.memory_space<vmem>>
      %dma_start3A_1074 = arith.constant 0 : i32
      %dma_start3A_1075 = tpu.memref_slice %arg5[%add3A_1045, %dma_start3A_1074] : memref<200x128xi32, #tpu.memory_space<vmem>> -> memref<1x128xi32, #tpu.memory_space<vmem>>
      %dma_start3A_1076 = tpu.memref_squeeze %dma_start3A_1075 : memref<1x128xi32, #tpu.memory_space<vmem>> -> memref<128xi32, #tpu.memory_space<vmem>>
      %dma_start3A_1077 = arith.constant 0 : i32
      %dma_start3A_1078 = arith.constant 0 : i32
      %dma_start3A_1079 = tpu.memref_slice %arg3[%dma_start3A_1077, %dma_start3A_1078] : memref<1000002x64xf32, #tpu.memory_space<hbm>> -> memref<1000002x64xf32, #tpu.memory_space<hbm>>
      %dma_start3A_1080 = tpu.memref_slice %arg7[%dma_start3A_1069] : memref<8x!tpu.dma_semaphore, #tpu.memory_space<semaphore_mem>> -> memref<1x!tpu.dma_semaphore, #tpu.memory_space<semaphore_mem>>
      %dma_start3A_1081 = tpu.memref_squeeze %dma_start3A_1080 : memref<1x!tpu.dma_semaphore, #tpu.memory_space<semaphore_mem>> -> memref<!tpu.dma_semaphore, #tpu.memory_space<semaphore_mem>>
      tpu.enqueue_indirect_dma source(%dma_start3A_1079 : memref<1000002x64xf32, #tpu.memory_space<hbm>>) target(%dma_start3A_1073 : memref<128x64xf32, #tpu.memory_space<vmem>>) offsets(%dma_start3A_1076 : memref<128xi32, #tpu.memory_space<vmem>>) semaphore(%dma_start3A_1081 : memref<!tpu.dma_semaphore, #tpu.memory_space<semaphore_mem>>)
      %add3A_1082 = arith.constant 8 : i32
      %add3A_1083 = arith.addi %mul3A_553, %add3A_1082 : i32
      %add3A_1084 = arith.constant 6 : i32
      %add3A_1085 = arith.addi %add3A_1083, %add3A_1084 : i32
      %add3A_1086 = arith.constant 6 : i32
      %add3A_1087 = arith.addi %mul3A_553, %add3A_1086 : i32
      %mul3A_1088 = arith.constant 128 : i32
      %mul3A_1089 = arith.muli %add3A_1087, %mul3A_1088 : i32
      %add3A_1090 = arith.addi %mul3A_4, %mul3A_1089 : i32
      %multiple_of3A_1091 = tpu.assume_multiple %add3A_1090, 128 : i32
      %dma_wait3A_1092 = arith.constant 6 : i32
      %dma_wait3A_1093 = arith.constant 6 : i32
      %dma_wait3A_1094 = arith.constant 0 : i32
      %dma_wait3A_1095 = arith.constant 0 : i32
      %dma_wait3A_1096 = tpu.memref_slice %arg6[%dma_wait3A_1092, %dma_wait3A_1094, %dma_wait3A_1095] : memref<8x128x64xf32, #tpu.memory_space<vmem>> -> memref<1x128x64xf32, #tpu.memory_space<vmem>>
      %dma_wait3A_1097 = tpu.memref_squeeze %dma_wait3A_1096 : memref<1x128x64xf32, #tpu.memory_space<vmem>> -> memref<128x64xf32, #tpu.memory_space<vmem>>
      %dma_wait3A_1098 = arith.constant 0 : i32
      %dma_wait3A_1099 = tpu.memref_slice %arg4[%multiple_of3A_1091, %dma_wait3A_1098] : memref<819200x64xf32, #tpu.memory_space<hbm>> -> memref<128x64xf32, #tpu.memory_space<hbm>>
      %dma_wait3A_1100 = tpu.memref_slice %arg8[%dma_wait3A_1093] : memref<8x!tpu.dma_semaphore, #tpu.memory_space<semaphore_mem>> -> memref<1x!tpu.dma_semaphore, #tpu.memory_space<semaphore_mem>>
      %dma_wait3A_1101 = tpu.memref_squeeze %dma_wait3A_1100 : memref<1x!tpu.dma_semaphore, #tpu.memory_space<semaphore_mem>> -> memref<!tpu.dma_semaphore, #tpu.memory_space<semaphore_mem>>
      %dma_wait3A_1102 = arith.constant 0 : i32
      %dma_wait3A_1103 = tpu.memref_slice %arg4[%multiple_of3A_1091, %dma_wait3A_1102] : memref<819200x64xf32, #tpu.memory_space<hbm>> -> memref<128x64xf32, #tpu.memory_space<hbm>>
      %dma_wait3A_1104 = arith.constant 0 : i32
      %dma_wait3A_1105 = arith.constant 0 : i32
      %dma_wait3A_1106 = tpu.memref_slice %arg6[%dma_wait3A_1092, %dma_wait3A_1104, %dma_wait3A_1105] : memref<8x128x64xf32, #tpu.memory_space<vmem>> -> memref<1x128x64xf32, #tpu.memory_space<vmem>>
      %dma_wait3A_1107 = tpu.memref_squeeze %dma_wait3A_1106 : memref<1x128x64xf32, #tpu.memory_space<vmem>> -> memref<128x64xf32, #tpu.memory_space<vmem>>
      tpu.wait_dma2 semaphore(%dma_wait3A_1101 : memref<!tpu.dma_semaphore, #tpu.memory_space<semaphore_mem>>) src(%dma_wait3A_1107 : memref<128x64xf32, #tpu.memory_space<vmem>>) dst(%dma_wait3A_1103 : memref<128x64xf32, #tpu.memory_space<hbm>>)
      %dma_start3A_1108 = arith.constant 6 : i32
      %dma_start3A_1109 = arith.constant 6 : i32
      %dma_start3A_1110 = arith.constant 0 : i32
      %dma_start3A_1111 = arith.constant 0 : i32
      %dma_start3A_1112 = tpu.memref_slice %arg6[%dma_start3A_1108, %dma_start3A_1110, %dma_start3A_1111] : memref<8x128x64xf32, #tpu.memory_space<vmem>> -> memref<1x128x64xf32, #tpu.memory_space<vmem>>
      %dma_start3A_1113 = tpu.memref_squeeze %dma_start3A_1112 : memref<1x128x64xf32, #tpu.memory_space<vmem>> -> memref<128x64xf32, #tpu.memory_space<vmem>>
      %dma_start3A_1114 = arith.constant 0 : i32
      %dma_start3A_1115 = tpu.memref_slice %arg5[%add3A_1085, %dma_start3A_1114] : memref<200x128xi32, #tpu.memory_space<vmem>> -> memref<1x128xi32, #tpu.memory_space<vmem>>
      %dma_start3A_1116 = tpu.memref_squeeze %dma_start3A_1115 : memref<1x128xi32, #tpu.memory_space<vmem>> -> memref<128xi32, #tpu.memory_space<vmem>>
      %dma_start3A_1117 = arith.constant 0 : i32
      %dma_start3A_1118 = arith.constant 0 : i32
      %dma_start3A_1119 = tpu.memref_slice %arg3[%dma_start3A_1117, %dma_start3A_1118] : memref<1000002x64xf32, #tpu.memory_space<hbm>> -> memref<1000002x64xf32, #tpu.memory_space<hbm>>
      %dma_start3A_1120 = tpu.memref_slice %arg7[%dma_start3A_1109] : memref<8x!tpu.dma_semaphore, #tpu.memory_space<semaphore_mem>> -> memref<1x!tpu.dma_semaphore, #tpu.memory_space<semaphore_mem>>
      %dma_start3A_1121 = tpu.memref_squeeze %dma_start3A_1120 : memref<1x!tpu.dma_semaphore, #tpu.memory_space<semaphore_mem>> -> memref<!tpu.dma_semaphore, #tpu.memory_space<semaphore_mem>>
      tpu.enqueue_indirect_dma source(%dma_start3A_1119 : memref<1000002x64xf32, #tpu.memory_space<hbm>>) target(%dma_start3A_1113 : memref<128x64xf32, #tpu.memory_space<vmem>>) offsets(%dma_start3A_1116 : memref<128xi32, #tpu.memory_space<vmem>>) semaphore(%dma_start3A_1121 : memref<!tpu.dma_semaphore, #tpu.memory_space<semaphore_mem>>)
      %add3A_1122 = arith.constant 8 : i32
      %add3A_1123 = arith.addi %mul3A_553, %add3A_1122 : i32
      %add3A_1124 = arith.constant 7 : i32
      %add3A_1125 = arith.addi %add3A_1123, %add3A_1124 : i32
      %add3A_1126 = arith.constant 7 : i32
      %add3A_1127 = arith.addi %mul3A_553, %add3A_1126 : i32
      %mul3A_1128 = arith.constant 128 : i32
      %mul3A_1129 = arith.muli %add3A_1127, %mul3A_1128 : i32
      %add3A_1130 = arith.addi %mul3A_4, %mul3A_1129 : i32
      %multiple_of3A_1131 = tpu.assume_multiple %add3A_1130, 128 : i32
      %dma_wait3A_1132 = arith.constant 7 : i32
      %dma_wait3A_1133 = arith.constant 7 : i32
      %dma_wait3A_1134 = arith.constant 0 : i32
      %dma_wait3A_1135 = arith.constant 0 : i32
      %dma_wait3A_1136 = tpu.memref_slice %arg6[%dma_wait3A_1132, %dma_wait3A_1134, %dma_wait3A_1135] : memref<8x128x64xf32, #tpu.memory_space<vmem>> -> memref<1x128x64xf32, #tpu.memory_space<vmem>>
      %dma_wait3A_1137 = tpu.memref_squeeze %dma_wait3A_1136 : memref<1x128x64xf32, #tpu.memory_space<vmem>> -> memref<128x64xf32, #tpu.memory_space<vmem>>
      %dma_wait3A_1138 = arith.constant 0 : i32
      %dma_wait3A_1139 = tpu.memref_slice %arg4[%multiple_of3A_1131, %dma_wait3A_1138] : memref<819200x64xf32, #tpu.memory_space<hbm>> -> memref<128x64xf32, #tpu.memory_space<hbm>>
      %dma_wait3A_1140 = tpu.memref_slice %arg8[%dma_wait3A_1133] : memref<8x!tpu.dma_semaphore, #tpu.memory_space<semaphore_mem>> -> memref<1x!tpu.dma_semaphore, #tpu.memory_space<semaphore_mem>>
      %dma_wait3A_1141 = tpu.memref_squeeze %dma_wait3A_1140 : memref<1x!tpu.dma_semaphore, #tpu.memory_space<semaphore_mem>> -> memref<!tpu.dma_semaphore, #tpu.memory_space<semaphore_mem>>
      %dma_wait3A_1142 = arith.constant 0 : i32
      %dma_wait3A_1143 = tpu.memref_slice %arg4[%multiple_of3A_1131, %dma_wait3A_1142] : memref<819200x64xf32, #tpu.memory_space<hbm>> -> memref<128x64xf32, #tpu.memory_space<hbm>>
      %dma_wait3A_1144 = arith.constant 0 : i32
      %dma_wait3A_1145 = arith.constant 0 : i32
      %dma_wait3A_1146 = tpu.memref_slice %arg6[%dma_wait3A_1132, %dma_wait3A_1144, %dma_wait3A_1145] : memref<8x128x64xf32, #tpu.memory_space<vmem>> -> memref<1x128x64xf32, #tpu.memory_space<vmem>>
      %dma_wait3A_1147 = tpu.memref_squeeze %dma_wait3A_1146 : memref<1x128x64xf32, #tpu.memory_space<vmem>> -> memref<128x64xf32, #tpu.memory_space<vmem>>
      tpu.wait_dma2 semaphore(%dma_wait3A_1141 : memref<!tpu.dma_semaphore, #tpu.memory_space<semaphore_mem>>) src(%dma_wait3A_1147 : memref<128x64xf32, #tpu.memory_space<vmem>>) dst(%dma_wait3A_1143 : memref<128x64xf32, #tpu.memory_space<hbm>>)
      %dma_start3A_1148 = arith.constant 7 : i32
      %dma_start3A_1149 = arith.constant 7 : i32
      %dma_start3A_1150 = arith.constant 0 : i32
      %dma_start3A_1151 = arith.constant 0 : i32
      %dma_start3A_1152 = tpu.memref_slice %arg6[%dma_start3A_1148, %dma_start3A_1150, %dma_start3A_1151] : memref<8x128x64xf32, #tpu.memory_space<vmem>> -> memref<1x128x64xf32, #tpu.memory_space<vmem>>
      %dma_start3A_1153 = tpu.memref_squeeze %dma_start3A_1152 : memref<1x128x64xf32, #tpu.memory_space<vmem>> -> memref<128x64xf32, #tpu.memory_space<vmem>>
      %dma_start3A_1154 = arith.constant 0 : i32
      %dma_start3A_1155 = tpu.memref_slice %arg5[%add3A_1125, %dma_start3A_1154] : memref<200x128xi32, #tpu.memory_space<vmem>> -> memref<1x128xi32, #tpu.memory_space<vmem>>
      %dma_start3A_1156 = tpu.memref_squeeze %dma_start3A_1155 : memref<1x128xi32, #tpu.memory_space<vmem>> -> memref<128xi32, #tpu.memory_space<vmem>>
      %dma_start3A_1157 = arith.constant 0 : i32
      %dma_start3A_1158 = arith.constant 0 : i32
      %dma_start3A_1159 = tpu.memref_slice %arg3[%dma_start3A_1157, %dma_start3A_1158] : memref<1000002x64xf32, #tpu.memory_space<hbm>> -> memref<1000002x64xf32, #tpu.memory_space<hbm>>
      %dma_start3A_1160 = tpu.memref_slice %arg7[%dma_start3A_1149] : memref<8x!tpu.dma_semaphore, #tpu.memory_space<semaphore_mem>> -> memref<1x!tpu.dma_semaphore, #tpu.memory_space<semaphore_mem>>
      %dma_start3A_1161 = tpu.memref_squeeze %dma_start3A_1160 : memref<1x!tpu.dma_semaphore, #tpu.memory_space<semaphore_mem>> -> memref<!tpu.dma_semaphore, #tpu.memory_space<semaphore_mem>>
      tpu.enqueue_indirect_dma source(%dma_start3A_1159 : memref<1000002x64xf32, #tpu.memory_space<hbm>>) target(%dma_start3A_1153 : memref<128x64xf32, #tpu.memory_space<vmem>>) offsets(%dma_start3A_1156 : memref<128xi32, #tpu.memory_space<vmem>>) semaphore(%dma_start3A_1161 : memref<!tpu.dma_semaphore, #tpu.memory_space<semaphore_mem>>)
    }
    %scan3A_128 = arith.constant 24 : i32
    %dma_wait3A = arith.constant 192 : i32
    %dma_wait3A_129 = arith.constant 0 : i32
    %dma_wait3A_130 = arith.constant 0 : i32
    %dma_wait3A_131 = arith.constant 0 : i32
    %dma_wait3A_132 = arith.constant 0 : i32
    %dma_wait3A_133 = tpu.memref_slice %arg6[%dma_wait3A_129, %dma_wait3A_131, %dma_wait3A_132] : memref<8x128x64xf32, #tpu.memory_space<vmem>> -> memref<1x128x64xf32, #tpu.memory_space<vmem>>
    %dma_wait3A_134 = tpu.memref_squeeze %dma_wait3A_133 : memref<1x128x64xf32, #tpu.memory_space<vmem>> -> memref<128x64xf32, #tpu.memory_space<vmem>>
    %dma_wait3A_135 = arith.constant 0 : i32
    %dma_wait3A_136 = tpu.memref_slice %arg5[%dma_wait3A, %dma_wait3A_135] : memref<200x128xi32, #tpu.memory_space<vmem>> -> memref<1x128xi32, #tpu.memory_space<vmem>>
    %dma_wait3A_137 = tpu.memref_squeeze %dma_wait3A_136 : memref<1x128xi32, #tpu.memory_space<vmem>> -> memref<128xi32, #tpu.memory_space<vmem>>
    %dma_wait3A_138 = arith.constant 0 : i32
    %dma_wait3A_139 = arith.constant 0 : i32
    %dma_wait3A_140 = tpu.memref_slice %arg3[%dma_wait3A_138, %dma_wait3A_139] : memref<1000002x64xf32, #tpu.memory_space<hbm>> -> memref<1000002x64xf32, #tpu.memory_space<hbm>>
    %dma_wait3A_141 = tpu.memref_slice %arg7[%dma_wait3A_130] : memref<8x!tpu.dma_semaphore, #tpu.memory_space<semaphore_mem>> -> memref<1x!tpu.dma_semaphore, #tpu.memory_space<semaphore_mem>>
    %dma_wait3A_142 = tpu.memref_squeeze %dma_wait3A_141 : memref<1x!tpu.dma_semaphore, #tpu.memory_space<semaphore_mem>> -> memref<!tpu.dma_semaphore, #tpu.memory_space<semaphore_mem>>
    tpu.wait_indirect_dma semaphore(%dma_wait3A_142 : memref<!tpu.dma_semaphore, #tpu.memory_space<semaphore_mem>>) src(%dma_wait3A_140 : memref<1000002x64xf32, #tpu.memory_space<hbm>>) dst(%dma_wait3A_134 : memref<128x64xf32, #tpu.memory_space<vmem>>)
    %add3A_143 = arith.constant 24576 : i32
    %add3A_144 = arith.addi %mul3A_4, %add3A_143 : i32
    %multiple_of3A = tpu.assume_multiple %add3A_144, 128 : i32
    %dma_start3A_145 = arith.constant 0 : i32
    %dma_start3A_146 = arith.constant 0 : i32
    %dma_start3A_147 = arith.constant 0 : i32
    %dma_start3A_148 = arith.constant 0 : i32
    %dma_start3A_149 = tpu.memref_slice %arg6[%dma_start3A_145, %dma_start3A_147, %dma_start3A_148] : memref<8x128x64xf32, #tpu.memory_space<vmem>> -> memref<1x128x64xf32, #tpu.memory_space<vmem>>
    %dma_start3A_150 = tpu.memref_squeeze %dma_start3A_149 : memref<1x128x64xf32, #tpu.memory_space<vmem>> -> memref<128x64xf32, #tpu.memory_space<vmem>>
    %dma_start3A_151 = arith.constant 0 : i32
    %dma_start3A_152 = tpu.memref_slice %arg4[%multiple_of3A, %dma_start3A_151] : memref<819200x64xf32, #tpu.memory_space<hbm>> -> memref<128x64xf32, #tpu.memory_space<hbm>>
    %dma_start3A_153 = tpu.memref_slice %arg8[%dma_start3A_146] : memref<8x!tpu.dma_semaphore, #tpu.memory_space<semaphore_mem>> -> memref<1x!tpu.dma_semaphore, #tpu.memory_space<semaphore_mem>>
    %dma_start3A_154 = tpu.memref_squeeze %dma_start3A_153 : memref<1x!tpu.dma_semaphore, #tpu.memory_space<semaphore_mem>> -> memref<!tpu.dma_semaphore, #tpu.memory_space<semaphore_mem>>
    %dma_start3A_155 = arith.constant 0 : i32
    %dma_start3A_156 = tpu.memref_slice %arg4[%multiple_of3A, %dma_start3A_155] : memref<819200x64xf32, #tpu.memory_space<hbm>> -> memref<128x64xf32, #tpu.memory_space<hbm>>
    %dma_start3A_157 = arith.constant 0 : i32
    %dma_start3A_158 = arith.constant 0 : i32
    %dma_start3A_159 = tpu.memref_slice %arg6[%dma_start3A_145, %dma_start3A_157, %dma_start3A_158] : memref<8x128x64xf32, #tpu.memory_space<vmem>> -> memref<1x128x64xf32, #tpu.memory_space<vmem>>
    %dma_start3A_160 = tpu.memref_squeeze %dma_start3A_159 : memref<1x128x64xf32, #tpu.memory_space<vmem>> -> memref<128x64xf32, #tpu.memory_space<vmem>>
    tpu.enqueue_dma source(%dma_start3A_160 : memref<128x64xf32, #tpu.memory_space<vmem>>) target(%dma_start3A_156 : memref<128x64xf32, #tpu.memory_space<hbm>>) target_semaphore(%dma_start3A_154 : memref<!tpu.dma_semaphore, #tpu.memory_space<semaphore_mem>>)
    %dma_wait3A_161 = arith.constant 193 : i32
    %dma_wait3A_162 = arith.constant 1 : i32
    %dma_wait3A_163 = arith.constant 1 : i32
    %dma_wait3A_164 = arith.constant 0 : i32
    %dma_wait3A_165 = arith.constant 0 : i32
    %dma_wait3A_166 = tpu.memref_slice %arg6[%dma_wait3A_162, %dma_wait3A_164, %dma_wait3A_165] : memref<8x128x64xf32, #tpu.memory_space<vmem>> -> memref<1x128x64xf32, #tpu.memory_space<vmem>>
    %dma_wait3A_167 = tpu.memref_squeeze %dma_wait3A_166 : memref<1x128x64xf32, #tpu.memory_space<vmem>> -> memref<128x64xf32, #tpu.memory_space<vmem>>
    %dma_wait3A_168 = arith.constant 0 : i32
    %dma_wait3A_169 = tpu.memref_slice %arg5[%dma_wait3A_161, %dma_wait3A_168] : memref<200x128xi32, #tpu.memory_space<vmem>> -> memref<1x128xi32, #tpu.memory_space<vmem>>
    %dma_wait3A_170 = tpu.memref_squeeze %dma_wait3A_169 : memref<1x128xi32, #tpu.memory_space<vmem>> -> memref<128xi32, #tpu.memory_space<vmem>>
    %dma_wait3A_171 = arith.constant 0 : i32
    %dma_wait3A_172 = arith.constant 0 : i32
    %dma_wait3A_173 = tpu.memref_slice %arg3[%dma_wait3A_171, %dma_wait3A_172] : memref<1000002x64xf32, #tpu.memory_space<hbm>> -> memref<1000002x64xf32, #tpu.memory_space<hbm>>
    %dma_wait3A_174 = tpu.memref_slice %arg7[%dma_wait3A_163] : memref<8x!tpu.dma_semaphore, #tpu.memory_space<semaphore_mem>> -> memref<1x!tpu.dma_semaphore, #tpu.memory_space<semaphore_mem>>
    %dma_wait3A_175 = tpu.memref_squeeze %dma_wait3A_174 : memref<1x!tpu.dma_semaphore, #tpu.memory_space<semaphore_mem>> -> memref<!tpu.dma_semaphore, #tpu.memory_space<semaphore_mem>>
    tpu.wait_indirect_dma semaphore(%dma_wait3A_175 : memref<!tpu.dma_semaphore, #tpu.memory_space<semaphore_mem>>) src(%dma_wait3A_173 : memref<1000002x64xf32, #tpu.memory_space<hbm>>) dst(%dma_wait3A_167 : memref<128x64xf32, #tpu.memory_space<vmem>>)
    %add3A_176 = arith.constant 24704 : i32
    %add3A_177 = arith.addi %mul3A_4, %add3A_176 : i32
    %multiple_of3A_178 = tpu.assume_multiple %add3A_177, 128 : i32
    %dma_start3A_179 = arith.constant 1 : i32
    %dma_start3A_180 = arith.constant 1 : i32
    %dma_start3A_181 = arith.constant 0 : i32
    %dma_start3A_182 = arith.constant 0 : i32
    %dma_start3A_183 = tpu.memref_slice %arg6[%dma_start3A_179, %dma_start3A_181, %dma_start3A_182] : memref<8x128x64xf32, #tpu.memory_space<vmem>> -> memref<1x128x64xf32, #tpu.memory_space<vmem>>
    %dma_start3A_184 = tpu.memref_squeeze %dma_start3A_183 : memref<1x128x64xf32, #tpu.memory_space<vmem>> -> memref<128x64xf32, #tpu.memory_space<vmem>>
    %dma_start3A_185 = arith.constant 0 : i32
    %dma_start3A_186 = tpu.memref_slice %arg4[%multiple_of3A_178, %dma_start3A_185] : memref<819200x64xf32, #tpu.memory_space<hbm>> -> memref<128x64xf32, #tpu.memory_space<hbm>>
    %dma_start3A_187 = tpu.memref_slice %arg8[%dma_start3A_180] : memref<8x!tpu.dma_semaphore, #tpu.memory_space<semaphore_mem>> -> memref<1x!tpu.dma_semaphore, #tpu.memory_space<semaphore_mem>>
    %dma_start3A_188 = tpu.memref_squeeze %dma_start3A_187 : memref<1x!tpu.dma_semaphore, #tpu.memory_space<semaphore_mem>> -> memref<!tpu.dma_semaphore, #tpu.memory_space<semaphore_mem>>
    %dma_start3A_189 = arith.constant 0 : i32
    %dma_start3A_190 = tpu.memref_slice %arg4[%multiple_of3A_178, %dma_start3A_189] : memref<819200x64xf32, #tpu.memory_space<hbm>> -> memref<128x64xf32, #tpu.memory_space<hbm>>
    %dma_start3A_191 = arith.constant 0 : i32
    %dma_start3A_192 = arith.constant 0 : i32
    %dma_start3A_193 = tpu.memref_slice %arg6[%dma_start3A_179, %dma_start3A_191, %dma_start3A_192] : memref<8x128x64xf32, #tpu.memory_space<vmem>> -> memref<1x128x64xf32, #tpu.memory_space<vmem>>
    %dma_start3A_194 = tpu.memref_squeeze %dma_start3A_193 : memref<1x128x64xf32, #tpu.memory_space<vmem>> -> memref<128x64xf32, #tpu.memory_space<vmem>>
    tpu.enqueue_dma source(%dma_start3A_194 : memref<128x64xf32, #tpu.memory_space<vmem>>) target(%dma_start3A_190 : memref<128x64xf32, #tpu.memory_space<hbm>>) target_semaphore(%dma_start3A_188 : memref<!tpu.dma_semaphore, #tpu.memory_space<semaphore_mem>>)
    %dma_wait3A_195 = arith.constant 194 : i32
    %dma_wait3A_196 = arith.constant 2 : i32
    %dma_wait3A_197 = arith.constant 2 : i32
    %dma_wait3A_198 = arith.constant 0 : i32
    %dma_wait3A_199 = arith.constant 0 : i32
    %dma_wait3A_200 = tpu.memref_slice %arg6[%dma_wait3A_196, %dma_wait3A_198, %dma_wait3A_199] : memref<8x128x64xf32, #tpu.memory_space<vmem>> -> memref<1x128x64xf32, #tpu.memory_space<vmem>>
    %dma_wait3A_201 = tpu.memref_squeeze %dma_wait3A_200 : memref<1x128x64xf32, #tpu.memory_space<vmem>> -> memref<128x64xf32, #tpu.memory_space<vmem>>
    %dma_wait3A_202 = arith.constant 0 : i32
    %dma_wait3A_203 = tpu.memref_slice %arg5[%dma_wait3A_195, %dma_wait3A_202] : memref<200x128xi32, #tpu.memory_space<vmem>> -> memref<1x128xi32, #tpu.memory_space<vmem>>
    %dma_wait3A_204 = tpu.memref_squeeze %dma_wait3A_203 : memref<1x128xi32, #tpu.memory_space<vmem>> -> memref<128xi32, #tpu.memory_space<vmem>>
    %dma_wait3A_205 = arith.constant 0 : i32
    %dma_wait3A_206 = arith.constant 0 : i32
    %dma_wait3A_207 = tpu.memref_slice %arg3[%dma_wait3A_205, %dma_wait3A_206] : memref<1000002x64xf32, #tpu.memory_space<hbm>> -> memref<1000002x64xf32, #tpu.memory_space<hbm>>
    %dma_wait3A_208 = tpu.memref_slice %arg7[%dma_wait3A_197] : memref<8x!tpu.dma_semaphore, #tpu.memory_space<semaphore_mem>> -> memref<1x!tpu.dma_semaphore, #tpu.memory_space<semaphore_mem>>
    %dma_wait3A_209 = tpu.memref_squeeze %dma_wait3A_208 : memref<1x!tpu.dma_semaphore, #tpu.memory_space<semaphore_mem>> -> memref<!tpu.dma_semaphore, #tpu.memory_space<semaphore_mem>>
    tpu.wait_indirect_dma semaphore(%dma_wait3A_209 : memref<!tpu.dma_semaphore, #tpu.memory_space<semaphore_mem>>) src(%dma_wait3A_207 : memref<1000002x64xf32, #tpu.memory_space<hbm>>) dst(%dma_wait3A_201 : memref<128x64xf32, #tpu.memory_space<vmem>>)
    %add3A_210 = arith.constant 24832 : i32
    %add3A_211 = arith.addi %mul3A_4, %add3A_210 : i32
    %multiple_of3A_212 = tpu.assume_multiple %add3A_211, 128 : i32
    %dma_start3A_213 = arith.constant 2 : i32
    %dma_start3A_214 = arith.constant 2 : i32
    %dma_start3A_215 = arith.constant 0 : i32
    %dma_start3A_216 = arith.constant 0 : i32
    %dma_start3A_217 = tpu.memref_slice %arg6[%dma_start3A_213, %dma_start3A_215, %dma_start3A_216] : memref<8x128x64xf32, #tpu.memory_space<vmem>> -> memref<1x128x64xf32, #tpu.memory_space<vmem>>
    %dma_start3A_218 = tpu.memref_squeeze %dma_start3A_217 : memref<1x128x64xf32, #tpu.memory_space<vmem>> -> memref<128x64xf32, #tpu.memory_space<vmem>>
    %dma_start3A_219 = arith.constant 0 : i32
    %dma_start3A_220 = tpu.memref_slice %arg4[%multiple_of3A_212, %dma_start3A_219] : memref<819200x64xf32, #tpu.memory_space<hbm>> -> memref<128x64xf32, #tpu.memory_space<hbm>>
    %dma_start3A_221 = tpu.memref_slice %arg8[%dma_start3A_214] : memref<8x!tpu.dma_semaphore, #tpu.memory_space<semaphore_mem>> -> memref<1x!tpu.dma_semaphore, #tpu.memory_space<semaphore_mem>>
    %dma_start3A_222 = tpu.memref_squeeze %dma_start3A_221 : memref<1x!tpu.dma_semaphore, #tpu.memory_space<semaphore_mem>> -> memref<!tpu.dma_semaphore, #tpu.memory_space<semaphore_mem>>
    %dma_start3A_223 = arith.constant 0 : i32
    %dma_start3A_224 = tpu.memref_slice %arg4[%multiple_of3A_212, %dma_start3A_223] : memref<819200x64xf32, #tpu.memory_space<hbm>> -> memref<128x64xf32, #tpu.memory_space<hbm>>
    %dma_start3A_225 = arith.constant 0 : i32
    %dma_start3A_226 = arith.constant 0 : i32
    %dma_start3A_227 = tpu.memref_slice %arg6[%dma_start3A_213, %dma_start3A_225, %dma_start3A_226] : memref<8x128x64xf32, #tpu.memory_space<vmem>> -> memref<1x128x64xf32, #tpu.memory_space<vmem>>
    %dma_start3A_228 = tpu.memref_squeeze %dma_start3A_227 : memref<1x128x64xf32, #tpu.memory_space<vmem>> -> memref<128x64xf32, #tpu.memory_space<vmem>>
    tpu.enqueue_dma source(%dma_start3A_228 : memref<128x64xf32, #tpu.memory_space<vmem>>) target(%dma_start3A_224 : memref<128x64xf32, #tpu.memory_space<hbm>>) target_semaphore(%dma_start3A_222 : memref<!tpu.dma_semaphore, #tpu.memory_space<semaphore_mem>>)
    %dma_wait3A_229 = arith.constant 195 : i32
    %dma_wait3A_230 = arith.constant 3 : i32
    %dma_wait3A_231 = arith.constant 3 : i32
    %dma_wait3A_232 = arith.constant 0 : i32
    %dma_wait3A_233 = arith.constant 0 : i32
    %dma_wait3A_234 = tpu.memref_slice %arg6[%dma_wait3A_230, %dma_wait3A_232, %dma_wait3A_233] : memref<8x128x64xf32, #tpu.memory_space<vmem>> -> memref<1x128x64xf32, #tpu.memory_space<vmem>>
    %dma_wait3A_235 = tpu.memref_squeeze %dma_wait3A_234 : memref<1x128x64xf32, #tpu.memory_space<vmem>> -> memref<128x64xf32, #tpu.memory_space<vmem>>
    %dma_wait3A_236 = arith.constant 0 : i32
    %dma_wait3A_237 = tpu.memref_slice %arg5[%dma_wait3A_229, %dma_wait3A_236] : memref<200x128xi32, #tpu.memory_space<vmem>> -> memref<1x128xi32, #tpu.memory_space<vmem>>
    %dma_wait3A_238 = tpu.memref_squeeze %dma_wait3A_237 : memref<1x128xi32, #tpu.memory_space<vmem>> -> memref<128xi32, #tpu.memory_space<vmem>>
    %dma_wait3A_239 = arith.constant 0 : i32
    %dma_wait3A_240 = arith.constant 0 : i32
    %dma_wait3A_241 = tpu.memref_slice %arg3[%dma_wait3A_239, %dma_wait3A_240] : memref<1000002x64xf32, #tpu.memory_space<hbm>> -> memref<1000002x64xf32, #tpu.memory_space<hbm>>
    %dma_wait3A_242 = tpu.memref_slice %arg7[%dma_wait3A_231] : memref<8x!tpu.dma_semaphore, #tpu.memory_space<semaphore_mem>> -> memref<1x!tpu.dma_semaphore, #tpu.memory_space<semaphore_mem>>
    %dma_wait3A_243 = tpu.memref_squeeze %dma_wait3A_242 : memref<1x!tpu.dma_semaphore, #tpu.memory_space<semaphore_mem>> -> memref<!tpu.dma_semaphore, #tpu.memory_space<semaphore_mem>>
    tpu.wait_indirect_dma semaphore(%dma_wait3A_243 : memref<!tpu.dma_semaphore, #tpu.memory_space<semaphore_mem>>) src(%dma_wait3A_241 : memref<1000002x64xf32, #tpu.memory_space<hbm>>) dst(%dma_wait3A_235 : memref<128x64xf32, #tpu.memory_space<vmem>>)
    %add3A_244 = arith.constant 24960 : i32
    %add3A_245 = arith.addi %mul3A_4, %add3A_244 : i32
    %multiple_of3A_246 = tpu.assume_multiple %add3A_245, 128 : i32
    %dma_start3A_247 = arith.constant 3 : i32
    %dma_start3A_248 = arith.constant 3 : i32
    %dma_start3A_249 = arith.constant 0 : i32
    %dma_start3A_250 = arith.constant 0 : i32
    %dma_start3A_251 = tpu.memref_slice %arg6[%dma_start3A_247, %dma_start3A_249, %dma_start3A_250] : memref<8x128x64xf32, #tpu.memory_space<vmem>> -> memref<1x128x64xf32, #tpu.memory_space<vmem>>
    %dma_start3A_252 = tpu.memref_squeeze %dma_start3A_251 : memref<1x128x64xf32, #tpu.memory_space<vmem>> -> memref<128x64xf32, #tpu.memory_space<vmem>>
    %dma_start3A_253 = arith.constant 0 : i32
    %dma_start3A_254 = tpu.memref_slice %arg4[%multiple_of3A_246, %dma_start3A_253] : memref<819200x64xf32, #tpu.memory_space<hbm>> -> memref<128x64xf32, #tpu.memory_space<hbm>>
    %dma_start3A_255 = tpu.memref_slice %arg8[%dma_start3A_248] : memref<8x!tpu.dma_semaphore, #tpu.memory_space<semaphore_mem>> -> memref<1x!tpu.dma_semaphore, #tpu.memory_space<semaphore_mem>>
    %dma_start3A_256 = tpu.memref_squeeze %dma_start3A_255 : memref<1x!tpu.dma_semaphore, #tpu.memory_space<semaphore_mem>> -> memref<!tpu.dma_semaphore, #tpu.memory_space<semaphore_mem>>
    %dma_start3A_257 = arith.constant 0 : i32
    %dma_start3A_258 = tpu.memref_slice %arg4[%multiple_of3A_246, %dma_start3A_257] : memref<819200x64xf32, #tpu.memory_space<hbm>> -> memref<128x64xf32, #tpu.memory_space<hbm>>
    %dma_start3A_259 = arith.constant 0 : i32
    %dma_start3A_260 = arith.constant 0 : i32
    %dma_start3A_261 = tpu.memref_slice %arg6[%dma_start3A_247, %dma_start3A_259, %dma_start3A_260] : memref<8x128x64xf32, #tpu.memory_space<vmem>> -> memref<1x128x64xf32, #tpu.memory_space<vmem>>
    %dma_start3A_262 = tpu.memref_squeeze %dma_start3A_261 : memref<1x128x64xf32, #tpu.memory_space<vmem>> -> memref<128x64xf32, #tpu.memory_space<vmem>>
    tpu.enqueue_dma source(%dma_start3A_262 : memref<128x64xf32, #tpu.memory_space<vmem>>) target(%dma_start3A_258 : memref<128x64xf32, #tpu.memory_space<hbm>>) target_semaphore(%dma_start3A_256 : memref<!tpu.dma_semaphore, #tpu.memory_space<semaphore_mem>>)
    %dma_wait3A_263 = arith.constant 196 : i32
    %dma_wait3A_264 = arith.constant 4 : i32
    %dma_wait3A_265 = arith.constant 4 : i32
    %dma_wait3A_266 = arith.constant 0 : i32
    %dma_wait3A_267 = arith.constant 0 : i32
    %dma_wait3A_268 = tpu.memref_slice %arg6[%dma_wait3A_264, %dma_wait3A_266, %dma_wait3A_267] : memref<8x128x64xf32, #tpu.memory_space<vmem>> -> memref<1x128x64xf32, #tpu.memory_space<vmem>>
    %dma_wait3A_269 = tpu.memref_squeeze %dma_wait3A_268 : memref<1x128x64xf32, #tpu.memory_space<vmem>> -> memref<128x64xf32, #tpu.memory_space<vmem>>
    %dma_wait3A_270 = arith.constant 0 : i32
    %dma_wait3A_271 = tpu.memref_slice %arg5[%dma_wait3A_263, %dma_wait3A_270] : memref<200x128xi32, #tpu.memory_space<vmem>> -> memref<1x128xi32, #tpu.memory_space<vmem>>
    %dma_wait3A_272 = tpu.memref_squeeze %dma_wait3A_271 : memref<1x128xi32, #tpu.memory_space<vmem>> -> memref<128xi32, #tpu.memory_space<vmem>>
    %dma_wait3A_273 = arith.constant 0 : i32
    %dma_wait3A_274 = arith.constant 0 : i32
    %dma_wait3A_275 = tpu.memref_slice %arg3[%dma_wait3A_273, %dma_wait3A_274] : memref<1000002x64xf32, #tpu.memory_space<hbm>> -> memref<1000002x64xf32, #tpu.memory_space<hbm>>
    %dma_wait3A_276 = tpu.memref_slice %arg7[%dma_wait3A_265] : memref<8x!tpu.dma_semaphore, #tpu.memory_space<semaphore_mem>> -> memref<1x!tpu.dma_semaphore, #tpu.memory_space<semaphore_mem>>
    %dma_wait3A_277 = tpu.memref_squeeze %dma_wait3A_276 : memref<1x!tpu.dma_semaphore, #tpu.memory_space<semaphore_mem>> -> memref<!tpu.dma_semaphore, #tpu.memory_space<semaphore_mem>>
    tpu.wait_indirect_dma semaphore(%dma_wait3A_277 : memref<!tpu.dma_semaphore, #tpu.memory_space<semaphore_mem>>) src(%dma_wait3A_275 : memref<1000002x64xf32, #tpu.memory_space<hbm>>) dst(%dma_wait3A_269 : memref<128x64xf32, #tpu.memory_space<vmem>>)
    %add3A_278 = arith.constant 25088 : i32
    %add3A_279 = arith.addi %mul3A_4, %add3A_278 : i32
    %multiple_of3A_280 = tpu.assume_multiple %add3A_279, 128 : i32
    %dma_start3A_281 = arith.constant 4 : i32
    %dma_start3A_282 = arith.constant 4 : i32
    %dma_start3A_283 = arith.constant 0 : i32
    %dma_start3A_284 = arith.constant 0 : i32
    %dma_start3A_285 = tpu.memref_slice %arg6[%dma_start3A_281, %dma_start3A_283, %dma_start3A_284] : memref<8x128x64xf32, #tpu.memory_space<vmem>> -> memref<1x128x64xf32, #tpu.memory_space<vmem>>
    %dma_start3A_286 = tpu.memref_squeeze %dma_start3A_285 : memref<1x128x64xf32, #tpu.memory_space<vmem>> -> memref<128x64xf32, #tpu.memory_space<vmem>>
    %dma_start3A_287 = arith.constant 0 : i32
    %dma_start3A_288 = tpu.memref_slice %arg4[%multiple_of3A_280, %dma_start3A_287] : memref<819200x64xf32, #tpu.memory_space<hbm>> -> memref<128x64xf32, #tpu.memory_space<hbm>>
    %dma_start3A_289 = tpu.memref_slice %arg8[%dma_start3A_282] : memref<8x!tpu.dma_semaphore, #tpu.memory_space<semaphore_mem>> -> memref<1x!tpu.dma_semaphore, #tpu.memory_space<semaphore_mem>>
    %dma_start3A_290 = tpu.memref_squeeze %dma_start3A_289 : memref<1x!tpu.dma_semaphore, #tpu.memory_space<semaphore_mem>> -> memref<!tpu.dma_semaphore, #tpu.memory_space<semaphore_mem>>
    %dma_start3A_291 = arith.constant 0 : i32
    %dma_start3A_292 = tpu.memref_slice %arg4[%multiple_of3A_280, %dma_start3A_291] : memref<819200x64xf32, #tpu.memory_space<hbm>> -> memref<128x64xf32, #tpu.memory_space<hbm>>
    %dma_start3A_293 = arith.constant 0 : i32
    %dma_start3A_294 = arith.constant 0 : i32
    %dma_start3A_295 = tpu.memref_slice %arg6[%dma_start3A_281, %dma_start3A_293, %dma_start3A_294] : memref<8x128x64xf32, #tpu.memory_space<vmem>> -> memref<1x128x64xf32, #tpu.memory_space<vmem>>
    %dma_start3A_296 = tpu.memref_squeeze %dma_start3A_295 : memref<1x128x64xf32, #tpu.memory_space<vmem>> -> memref<128x64xf32, #tpu.memory_space<vmem>>
    tpu.enqueue_dma source(%dma_start3A_296 : memref<128x64xf32, #tpu.memory_space<vmem>>) target(%dma_start3A_292 : memref<128x64xf32, #tpu.memory_space<hbm>>) target_semaphore(%dma_start3A_290 : memref<!tpu.dma_semaphore, #tpu.memory_space<semaphore_mem>>)
    %dma_wait3A_297 = arith.constant 197 : i32
    %dma_wait3A_298 = arith.constant 5 : i32
    %dma_wait3A_299 = arith.constant 5 : i32
    %dma_wait3A_300 = arith.constant 0 : i32
    %dma_wait3A_301 = arith.constant 0 : i32
    %dma_wait3A_302 = tpu.memref_slice %arg6[%dma_wait3A_298, %dma_wait3A_300, %dma_wait3A_301] : memref<8x128x64xf32, #tpu.memory_space<vmem>> -> memref<1x128x64xf32, #tpu.memory_space<vmem>>
    %dma_wait3A_303 = tpu.memref_squeeze %dma_wait3A_302 : memref<1x128x64xf32, #tpu.memory_space<vmem>> -> memref<128x64xf32, #tpu.memory_space<vmem>>
    %dma_wait3A_304 = arith.constant 0 : i32
    %dma_wait3A_305 = tpu.memref_slice %arg5[%dma_wait3A_297, %dma_wait3A_304] : memref<200x128xi32, #tpu.memory_space<vmem>> -> memref<1x128xi32, #tpu.memory_space<vmem>>
    %dma_wait3A_306 = tpu.memref_squeeze %dma_wait3A_305 : memref<1x128xi32, #tpu.memory_space<vmem>> -> memref<128xi32, #tpu.memory_space<vmem>>
    %dma_wait3A_307 = arith.constant 0 : i32
    %dma_wait3A_308 = arith.constant 0 : i32
    %dma_wait3A_309 = tpu.memref_slice %arg3[%dma_wait3A_307, %dma_wait3A_308] : memref<1000002x64xf32, #tpu.memory_space<hbm>> -> memref<1000002x64xf32, #tpu.memory_space<hbm>>
    %dma_wait3A_310 = tpu.memref_slice %arg7[%dma_wait3A_299] : memref<8x!tpu.dma_semaphore, #tpu.memory_space<semaphore_mem>> -> memref<1x!tpu.dma_semaphore, #tpu.memory_space<semaphore_mem>>
    %dma_wait3A_311 = tpu.memref_squeeze %dma_wait3A_310 : memref<1x!tpu.dma_semaphore, #tpu.memory_space<semaphore_mem>> -> memref<!tpu.dma_semaphore, #tpu.memory_space<semaphore_mem>>
    tpu.wait_indirect_dma semaphore(%dma_wait3A_311 : memref<!tpu.dma_semaphore, #tpu.memory_space<semaphore_mem>>) src(%dma_wait3A_309 : memref<1000002x64xf32, #tpu.memory_space<hbm>>) dst(%dma_wait3A_303 : memref<128x64xf32, #tpu.memory_space<vmem>>)
    %add3A_312 = arith.constant 25216 : i32
    %add3A_313 = arith.addi %mul3A_4, %add3A_312 : i32
    %multiple_of3A_314 = tpu.assume_multiple %add3A_313, 128 : i32
    %dma_start3A_315 = arith.constant 5 : i32
    %dma_start3A_316 = arith.constant 5 : i32
    %dma_start3A_317 = arith.constant 0 : i32
    %dma_start3A_318 = arith.constant 0 : i32
    %dma_start3A_319 = tpu.memref_slice %arg6[%dma_start3A_315, %dma_start3A_317, %dma_start3A_318] : memref<8x128x64xf32, #tpu.memory_space<vmem>> -> memref<1x128x64xf32, #tpu.memory_space<vmem>>
    %dma_start3A_320 = tpu.memref_squeeze %dma_start3A_319 : memref<1x128x64xf32, #tpu.memory_space<vmem>> -> memref<128x64xf32, #tpu.memory_space<vmem>>
    %dma_start3A_321 = arith.constant 0 : i32
    %dma_start3A_322 = tpu.memref_slice %arg4[%multiple_of3A_314, %dma_start3A_321] : memref<819200x64xf32, #tpu.memory_space<hbm>> -> memref<128x64xf32, #tpu.memory_space<hbm>>
    %dma_start3A_323 = tpu.memref_slice %arg8[%dma_start3A_316] : memref<8x!tpu.dma_semaphore, #tpu.memory_space<semaphore_mem>> -> memref<1x!tpu.dma_semaphore, #tpu.memory_space<semaphore_mem>>
    %dma_start3A_324 = tpu.memref_squeeze %dma_start3A_323 : memref<1x!tpu.dma_semaphore, #tpu.memory_space<semaphore_mem>> -> memref<!tpu.dma_semaphore, #tpu.memory_space<semaphore_mem>>
    %dma_start3A_325 = arith.constant 0 : i32
    %dma_start3A_326 = tpu.memref_slice %arg4[%multiple_of3A_314, %dma_start3A_325] : memref<819200x64xf32, #tpu.memory_space<hbm>> -> memref<128x64xf32, #tpu.memory_space<hbm>>
    %dma_start3A_327 = arith.constant 0 : i32
    %dma_start3A_328 = arith.constant 0 : i32
    %dma_start3A_329 = tpu.memref_slice %arg6[%dma_start3A_315, %dma_start3A_327, %dma_start3A_328] : memref<8x128x64xf32, #tpu.memory_space<vmem>> -> memref<1x128x64xf32, #tpu.memory_space<vmem>>
    %dma_start3A_330 = tpu.memref_squeeze %dma_start3A_329 : memref<1x128x64xf32, #tpu.memory_space<vmem>> -> memref<128x64xf32, #tpu.memory_space<vmem>>
    tpu.enqueue_dma source(%dma_start3A_330 : memref<128x64xf32, #tpu.memory_space<vmem>>) target(%dma_start3A_326 : memref<128x64xf32, #tpu.memory_space<hbm>>) target_semaphore(%dma_start3A_324 : memref<!tpu.dma_semaphore, #tpu.memory_space<semaphore_mem>>)
    %dma_wait3A_331 = arith.constant 198 : i32
    %dma_wait3A_332 = arith.constant 6 : i32
    %dma_wait3A_333 = arith.constant 6 : i32
    %dma_wait3A_334 = arith.constant 0 : i32
    %dma_wait3A_335 = arith.constant 0 : i32
    %dma_wait3A_336 = tpu.memref_slice %arg6[%dma_wait3A_332, %dma_wait3A_334, %dma_wait3A_335] : memref<8x128x64xf32, #tpu.memory_space<vmem>> -> memref<1x128x64xf32, #tpu.memory_space<vmem>>
    %dma_wait3A_337 = tpu.memref_squeeze %dma_wait3A_336 : memref<1x128x64xf32, #tpu.memory_space<vmem>> -> memref<128x64xf32, #tpu.memory_space<vmem>>
    %dma_wait3A_338 = arith.constant 0 : i32
    %dma_wait3A_339 = tpu.memref_slice %arg5[%dma_wait3A_331, %dma_wait3A_338] : memref<200x128xi32, #tpu.memory_space<vmem>> -> memref<1x128xi32, #tpu.memory_space<vmem>>
    %dma_wait3A_340 = tpu.memref_squeeze %dma_wait3A_339 : memref<1x128xi32, #tpu.memory_space<vmem>> -> memref<128xi32, #tpu.memory_space<vmem>>
    %dma_wait3A_341 = arith.constant 0 : i32
    %dma_wait3A_342 = arith.constant 0 : i32
    %dma_wait3A_343 = tpu.memref_slice %arg3[%dma_wait3A_341, %dma_wait3A_342] : memref<1000002x64xf32, #tpu.memory_space<hbm>> -> memref<1000002x64xf32, #tpu.memory_space<hbm>>
    %dma_wait3A_344 = tpu.memref_slice %arg7[%dma_wait3A_333] : memref<8x!tpu.dma_semaphore, #tpu.memory_space<semaphore_mem>> -> memref<1x!tpu.dma_semaphore, #tpu.memory_space<semaphore_mem>>
    %dma_wait3A_345 = tpu.memref_squeeze %dma_wait3A_344 : memref<1x!tpu.dma_semaphore, #tpu.memory_space<semaphore_mem>> -> memref<!tpu.dma_semaphore, #tpu.memory_space<semaphore_mem>>
    tpu.wait_indirect_dma semaphore(%dma_wait3A_345 : memref<!tpu.dma_semaphore, #tpu.memory_space<semaphore_mem>>) src(%dma_wait3A_343 : memref<1000002x64xf32, #tpu.memory_space<hbm>>) dst(%dma_wait3A_337 : memref<128x64xf32, #tpu.memory_space<vmem>>)
    %add3A_346 = arith.constant 25344 : i32
    %add3A_347 = arith.addi %mul3A_4, %add3A_346 : i32
    %multiple_of3A_348 = tpu.assume_multiple %add3A_347, 128 : i32
    %dma_start3A_349 = arith.constant 6 : i32
    %dma_start3A_350 = arith.constant 6 : i32
    %dma_start3A_351 = arith.constant 0 : i32
    %dma_start3A_352 = arith.constant 0 : i32
    %dma_start3A_353 = tpu.memref_slice %arg6[%dma_start3A_349, %dma_start3A_351, %dma_start3A_352] : memref<8x128x64xf32, #tpu.memory_space<vmem>> -> memref<1x128x64xf32, #tpu.memory_space<vmem>>
    %dma_start3A_354 = tpu.memref_squeeze %dma_start3A_353 : memref<1x128x64xf32, #tpu.memory_space<vmem>> -> memref<128x64xf32, #tpu.memory_space<vmem>>
    %dma_start3A_355 = arith.constant 0 : i32
    %dma_start3A_356 = tpu.memref_slice %arg4[%multiple_of3A_348, %dma_start3A_355] : memref<819200x64xf32, #tpu.memory_space<hbm>> -> memref<128x64xf32, #tpu.memory_space<hbm>>
    %dma_start3A_357 = tpu.memref_slice %arg8[%dma_start3A_350] : memref<8x!tpu.dma_semaphore, #tpu.memory_space<semaphore_mem>> -> memref<1x!tpu.dma_semaphore, #tpu.memory_space<semaphore_mem>>
    %dma_start3A_358 = tpu.memref_squeeze %dma_start3A_357 : memref<1x!tpu.dma_semaphore, #tpu.memory_space<semaphore_mem>> -> memref<!tpu.dma_semaphore, #tpu.memory_space<semaphore_mem>>
    %dma_start3A_359 = arith.constant 0 : i32
    %dma_start3A_360 = tpu.memref_slice %arg4[%multiple_of3A_348, %dma_start3A_359] : memref<819200x64xf32, #tpu.memory_space<hbm>> -> memref<128x64xf32, #tpu.memory_space<hbm>>
    %dma_start3A_361 = arith.constant 0 : i32
    %dma_start3A_362 = arith.constant 0 : i32
    %dma_start3A_363 = tpu.memref_slice %arg6[%dma_start3A_349, %dma_start3A_361, %dma_start3A_362] : memref<8x128x64xf32, #tpu.memory_space<vmem>> -> memref<1x128x64xf32, #tpu.memory_space<vmem>>
    %dma_start3A_364 = tpu.memref_squeeze %dma_start3A_363 : memref<1x128x64xf32, #tpu.memory_space<vmem>> -> memref<128x64xf32, #tpu.memory_space<vmem>>
    tpu.enqueue_dma source(%dma_start3A_364 : memref<128x64xf32, #tpu.memory_space<vmem>>) target(%dma_start3A_360 : memref<128x64xf32, #tpu.memory_space<hbm>>) target_semaphore(%dma_start3A_358 : memref<!tpu.dma_semaphore, #tpu.memory_space<semaphore_mem>>)
    %dma_wait3A_365 = arith.constant 199 : i32
    %dma_wait3A_366 = arith.constant 7 : i32
    %dma_wait3A_367 = arith.constant 7 : i32
    %dma_wait3A_368 = arith.constant 0 : i32
    %dma_wait3A_369 = arith.constant 0 : i32
    %dma_wait3A_370 = tpu.memref_slice %arg6[%dma_wait3A_366, %dma_wait3A_368, %dma_wait3A_369] : memref<8x128x64xf32, #tpu.memory_space<vmem>> -> memref<1x128x64xf32, #tpu.memory_space<vmem>>
    %dma_wait3A_371 = tpu.memref_squeeze %dma_wait3A_370 : memref<1x128x64xf32, #tpu.memory_space<vmem>> -> memref<128x64xf32, #tpu.memory_space<vmem>>
    %dma_wait3A_372 = arith.constant 0 : i32
    %dma_wait3A_373 = tpu.memref_slice %arg5[%dma_wait3A_365, %dma_wait3A_372] : memref<200x128xi32, #tpu.memory_space<vmem>> -> memref<1x128xi32, #tpu.memory_space<vmem>>
    %dma_wait3A_374 = tpu.memref_squeeze %dma_wait3A_373 : memref<1x128xi32, #tpu.memory_space<vmem>> -> memref<128xi32, #tpu.memory_space<vmem>>
    %dma_wait3A_375 = arith.constant 0 : i32
    %dma_wait3A_376 = arith.constant 0 : i32
    %dma_wait3A_377 = tpu.memref_slice %arg3[%dma_wait3A_375, %dma_wait3A_376] : memref<1000002x64xf32, #tpu.memory_space<hbm>> -> memref<1000002x64xf32, #tpu.memory_space<hbm>>
    %dma_wait3A_378 = tpu.memref_slice %arg7[%dma_wait3A_367] : memref<8x!tpu.dma_semaphore, #tpu.memory_space<semaphore_mem>> -> memref<1x!tpu.dma_semaphore, #tpu.memory_space<semaphore_mem>>
    %dma_wait3A_379 = tpu.memref_squeeze %dma_wait3A_378 : memref<1x!tpu.dma_semaphore, #tpu.memory_space<semaphore_mem>> -> memref<!tpu.dma_semaphore, #tpu.memory_space<semaphore_mem>>
    tpu.wait_indirect_dma semaphore(%dma_wait3A_379 : memref<!tpu.dma_semaphore, #tpu.memory_space<semaphore_mem>>) src(%dma_wait3A_377 : memref<1000002x64xf32, #tpu.memory_space<hbm>>) dst(%dma_wait3A_371 : memref<128x64xf32, #tpu.memory_space<vmem>>)
    %add3A_380 = arith.constant 25472 : i32
    %add3A_381 = arith.addi %mul3A_4, %add3A_380 : i32
    %multiple_of3A_382 = tpu.assume_multiple %add3A_381, 128 : i32
    %dma_start3A_383 = arith.constant 7 : i32
    %dma_start3A_384 = arith.constant 7 : i32
    %dma_start3A_385 = arith.constant 0 : i32
    %dma_start3A_386 = arith.constant 0 : i32
    %dma_start3A_387 = tpu.memref_slice %arg6[%dma_start3A_383, %dma_start3A_385, %dma_start3A_386] : memref<8x128x64xf32, #tpu.memory_space<vmem>> -> memref<1x128x64xf32, #tpu.memory_space<vmem>>
    %dma_start3A_388 = tpu.memref_squeeze %dma_start3A_387 : memref<1x128x64xf32, #tpu.memory_space<vmem>> -> memref<128x64xf32, #tpu.memory_space<vmem>>
    %dma_start3A_389 = arith.constant 0 : i32
    %dma_start3A_390 = tpu.memref_slice %arg4[%multiple_of3A_382, %dma_start3A_389] : memref<819200x64xf32, #tpu.memory_space<hbm>> -> memref<128x64xf32, #tpu.memory_space<hbm>>
    %dma_start3A_391 = tpu.memref_slice %arg8[%dma_start3A_384] : memref<8x!tpu.dma_semaphore, #tpu.memory_space<semaphore_mem>> -> memref<1x!tpu.dma_semaphore, #tpu.memory_space<semaphore_mem>>
    %dma_start3A_392 = tpu.memref_squeeze %dma_start3A_391 : memref<1x!tpu.dma_semaphore, #tpu.memory_space<semaphore_mem>> -> memref<!tpu.dma_semaphore, #tpu.memory_space<semaphore_mem>>
    %dma_start3A_393 = arith.constant 0 : i32
    %dma_start3A_394 = tpu.memref_slice %arg4[%multiple_of3A_382, %dma_start3A_393] : memref<819200x64xf32, #tpu.memory_space<hbm>> -> memref<128x64xf32, #tpu.memory_space<hbm>>
    %dma_start3A_395 = arith.constant 0 : i32
    %dma_start3A_396 = arith.constant 0 : i32
    %dma_start3A_397 = tpu.memref_slice %arg6[%dma_start3A_383, %dma_start3A_395, %dma_start3A_396] : memref<8x128x64xf32, #tpu.memory_space<vmem>> -> memref<1x128x64xf32, #tpu.memory_space<vmem>>
    %dma_start3A_398 = tpu.memref_squeeze %dma_start3A_397 : memref<1x128x64xf32, #tpu.memory_space<vmem>> -> memref<128x64xf32, #tpu.memory_space<vmem>>
    tpu.enqueue_dma source(%dma_start3A_398 : memref<128x64xf32, #tpu.memory_space<vmem>>) target(%dma_start3A_394 : memref<128x64xf32, #tpu.memory_space<hbm>>) target_semaphore(%dma_start3A_392 : memref<!tpu.dma_semaphore, #tpu.memory_space<semaphore_mem>>)
    %add3A_399 = arith.constant 24576 : i32
    %add3A_400 = arith.addi %mul3A_4, %add3A_399 : i32
    %multiple_of3A_401 = tpu.assume_multiple %add3A_400, 128 : i32
    %dma_wait3A_402 = arith.constant 0 : i32
    %dma_wait3A_403 = arith.constant 0 : i32
    %dma_wait3A_404 = arith.constant 0 : i32
    %dma_wait3A_405 = arith.constant 0 : i32
    %dma_wait3A_406 = tpu.memref_slice %arg6[%dma_wait3A_402, %dma_wait3A_404, %dma_wait3A_405] : memref<8x128x64xf32, #tpu.memory_space<vmem>> -> memref<1x128x64xf32, #tpu.memory_space<vmem>>
    %dma_wait3A_407 = tpu.memref_squeeze %dma_wait3A_406 : memref<1x128x64xf32, #tpu.memory_space<vmem>> -> memref<128x64xf32, #tpu.memory_space<vmem>>
    %dma_wait3A_408 = arith.constant 0 : i32
    %dma_wait3A_409 = tpu.memref_slice %arg4[%multiple_of3A_401, %dma_wait3A_408] : memref<819200x64xf32, #tpu.memory_space<hbm>> -> memref<128x64xf32, #tpu.memory_space<hbm>>
    %dma_wait3A_410 = tpu.memref_slice %arg8[%dma_wait3A_403] : memref<8x!tpu.dma_semaphore, #tpu.memory_space<semaphore_mem>> -> memref<1x!tpu.dma_semaphore, #tpu.memory_space<semaphore_mem>>
    %dma_wait3A_411 = tpu.memref_squeeze %dma_wait3A_410 : memref<1x!tpu.dma_semaphore, #tpu.memory_space<semaphore_mem>> -> memref<!tpu.dma_semaphore, #tpu.memory_space<semaphore_mem>>
    %dma_wait3A_412 = arith.constant 0 : i32
    %dma_wait3A_413 = tpu.memref_slice %arg4[%multiple_of3A_401, %dma_wait3A_412] : memref<819200x64xf32, #tpu.memory_space<hbm>> -> memref<128x64xf32, #tpu.memory_space<hbm>>
    %dma_wait3A_414 = arith.constant 0 : i32
    %dma_wait3A_415 = arith.constant 0 : i32
    %dma_wait3A_416 = tpu.memref_slice %arg6[%dma_wait3A_402, %dma_wait3A_414, %dma_wait3A_415] : memref<8x128x64xf32, #tpu.memory_space<vmem>> -> memref<1x128x64xf32, #tpu.memory_space<vmem>>
    %dma_wait3A_417 = tpu.memref_squeeze %dma_wait3A_416 : memref<1x128x64xf32, #tpu.memory_space<vmem>> -> memref<128x64xf32, #tpu.memory_space<vmem>>
    tpu.wait_dma2 semaphore(%dma_wait3A_411 : memref<!tpu.dma_semaphore, #tpu.memory_space<semaphore_mem>>) src(%dma_wait3A_417 : memref<128x64xf32, #tpu.memory_space<vmem>>) dst(%dma_wait3A_413 : memref<128x64xf32, #tpu.memory_space<hbm>>)
    %add3A_418 = arith.constant 24704 : i32
    %add3A_419 = arith.addi %mul3A_4, %add3A_418 : i32
    %multiple_of3A_420 = tpu.assume_multiple %add3A_419, 128 : i32
    %dma_wait3A_421 = arith.constant 1 : i32
    %dma_wait3A_422 = arith.constant 1 : i32
    %dma_wait3A_423 = arith.constant 0 : i32
    %dma_wait3A_424 = arith.constant 0 : i32
    %dma_wait3A_425 = tpu.memref_slice %arg6[%dma_wait3A_421, %dma_wait3A_423, %dma_wait3A_424] : memref<8x128x64xf32, #tpu.memory_space<vmem>> -> memref<1x128x64xf32, #tpu.memory_space<vmem>>
    %dma_wait3A_426 = tpu.memref_squeeze %dma_wait3A_425 : memref<1x128x64xf32, #tpu.memory_space<vmem>> -> memref<128x64xf32, #tpu.memory_space<vmem>>
    %dma_wait3A_427 = arith.constant 0 : i32
    %dma_wait3A_428 = tpu.memref_slice %arg4[%multiple_of3A_420, %dma_wait3A_427] : memref<819200x64xf32, #tpu.memory_space<hbm>> -> memref<128x64xf32, #tpu.memory_space<hbm>>
    %dma_wait3A_429 = tpu.memref_slice %arg8[%dma_wait3A_422] : memref<8x!tpu.dma_semaphore, #tpu.memory_space<semaphore_mem>> -> memref<1x!tpu.dma_semaphore, #tpu.memory_space<semaphore_mem>>
    %dma_wait3A_430 = tpu.memref_squeeze %dma_wait3A_429 : memref<1x!tpu.dma_semaphore, #tpu.memory_space<semaphore_mem>> -> memref<!tpu.dma_semaphore, #tpu.memory_space<semaphore_mem>>
    %dma_wait3A_431 = arith.constant 0 : i32
    %dma_wait3A_432 = tpu.memref_slice %arg4[%multiple_of3A_420, %dma_wait3A_431] : memref<819200x64xf32, #tpu.memory_space<hbm>> -> memref<128x64xf32, #tpu.memory_space<hbm>>
    %dma_wait3A_433 = arith.constant 0 : i32
    %dma_wait3A_434 = arith.constant 0 : i32
    %dma_wait3A_435 = tpu.memref_slice %arg6[%dma_wait3A_421, %dma_wait3A_433, %dma_wait3A_434] : memref<8x128x64xf32, #tpu.memory_space<vmem>> -> memref<1x128x64xf32, #tpu.memory_space<vmem>>
    %dma_wait3A_436 = tpu.memref_squeeze %dma_wait3A_435 : memref<1x128x64xf32, #tpu.memory_space<vmem>> -> memref<128x64xf32, #tpu.memory_space<vmem>>
    tpu.wait_dma2 semaphore(%dma_wait3A_430 : memref<!tpu.dma_semaphore, #tpu.memory_space<semaphore_mem>>) src(%dma_wait3A_436 : memref<128x64xf32, #tpu.memory_space<vmem>>) dst(%dma_wait3A_432 : memref<128x64xf32, #tpu.memory_space<hbm>>)
    %add3A_437 = arith.constant 24832 : i32
    %add3A_438 = arith.addi %mul3A_4, %add3A_437 : i32
    %multiple_of3A_439 = tpu.assume_multiple %add3A_438, 128 : i32
    %dma_wait3A_440 = arith.constant 2 : i32
    %dma_wait3A_441 = arith.constant 2 : i32
    %dma_wait3A_442 = arith.constant 0 : i32
    %dma_wait3A_443 = arith.constant 0 : i32
    %dma_wait3A_444 = tpu.memref_slice %arg6[%dma_wait3A_440, %dma_wait3A_442, %dma_wait3A_443] : memref<8x128x64xf32, #tpu.memory_space<vmem>> -> memref<1x128x64xf32, #tpu.memory_space<vmem>>
    %dma_wait3A_445 = tpu.memref_squeeze %dma_wait3A_444 : memref<1x128x64xf32, #tpu.memory_space<vmem>> -> memref<128x64xf32, #tpu.memory_space<vmem>>
    %dma_wait3A_446 = arith.constant 0 : i32
    %dma_wait3A_447 = tpu.memref_slice %arg4[%multiple_of3A_439, %dma_wait3A_446] : memref<819200x64xf32, #tpu.memory_space<hbm>> -> memref<128x64xf32, #tpu.memory_space<hbm>>
    %dma_wait3A_448 = tpu.memref_slice %arg8[%dma_wait3A_441] : memref<8x!tpu.dma_semaphore, #tpu.memory_space<semaphore_mem>> -> memref<1x!tpu.dma_semaphore, #tpu.memory_space<semaphore_mem>>
    %dma_wait3A_449 = tpu.memref_squeeze %dma_wait3A_448 : memref<1x!tpu.dma_semaphore, #tpu.memory_space<semaphore_mem>> -> memref<!tpu.dma_semaphore, #tpu.memory_space<semaphore_mem>>
    %dma_wait3A_450 = arith.constant 0 : i32
    %dma_wait3A_451 = tpu.memref_slice %arg4[%multiple_of3A_439, %dma_wait3A_450] : memref<819200x64xf32, #tpu.memory_space<hbm>> -> memref<128x64xf32, #tpu.memory_space<hbm>>
    %dma_wait3A_452 = arith.constant 0 : i32
    %dma_wait3A_453 = arith.constant 0 : i32
    %dma_wait3A_454 = tpu.memref_slice %arg6[%dma_wait3A_440, %dma_wait3A_452, %dma_wait3A_453] : memref<8x128x64xf32, #tpu.memory_space<vmem>> -> memref<1x128x64xf32, #tpu.memory_space<vmem>>
    %dma_wait3A_455 = tpu.memref_squeeze %dma_wait3A_454 : memref<1x128x64xf32, #tpu.memory_space<vmem>> -> memref<128x64xf32, #tpu.memory_space<vmem>>
    tpu.wait_dma2 semaphore(%dma_wait3A_449 : memref<!tpu.dma_semaphore, #tpu.memory_space<semaphore_mem>>) src(%dma_wait3A_455 : memref<128x64xf32, #tpu.memory_space<vmem>>) dst(%dma_wait3A_451 : memref<128x64xf32, #tpu.memory_space<hbm>>)
    %add3A_456 = arith.constant 24960 : i32
    %add3A_457 = arith.addi %mul3A_4, %add3A_456 : i32
    %multiple_of3A_458 = tpu.assume_multiple %add3A_457, 128 : i32
    %dma_wait3A_459 = arith.constant 3 : i32
    %dma_wait3A_460 = arith.constant 3 : i32
    %dma_wait3A_461 = arith.constant 0 : i32
    %dma_wait3A_462 = arith.constant 0 : i32
    %dma_wait3A_463 = tpu.memref_slice %arg6[%dma_wait3A_459, %dma_wait3A_461, %dma_wait3A_462] : memref<8x128x64xf32, #tpu.memory_space<vmem>> -> memref<1x128x64xf32, #tpu.memory_space<vmem>>
    %dma_wait3A_464 = tpu.memref_squeeze %dma_wait3A_463 : memref<1x128x64xf32, #tpu.memory_space<vmem>> -> memref<128x64xf32, #tpu.memory_space<vmem>>
    %dma_wait3A_465 = arith.constant 0 : i32
    %dma_wait3A_466 = tpu.memref_slice %arg4[%multiple_of3A_458, %dma_wait3A_465] : memref<819200x64xf32, #tpu.memory_space<hbm>> -> memref<128x64xf32, #tpu.memory_space<hbm>>
    %dma_wait3A_467 = tpu.memref_slice %arg8[%dma_wait3A_460] : memref<8x!tpu.dma_semaphore, #tpu.memory_space<semaphore_mem>> -> memref<1x!tpu.dma_semaphore, #tpu.memory_space<semaphore_mem>>
    %dma_wait3A_468 = tpu.memref_squeeze %dma_wait3A_467 : memref<1x!tpu.dma_semaphore, #tpu.memory_space<semaphore_mem>> -> memref<!tpu.dma_semaphore, #tpu.memory_space<semaphore_mem>>
    %dma_wait3A_469 = arith.constant 0 : i32
    %dma_wait3A_470 = tpu.memref_slice %arg4[%multiple_of3A_458, %dma_wait3A_469] : memref<819200x64xf32, #tpu.memory_space<hbm>> -> memref<128x64xf32, #tpu.memory_space<hbm>>
    %dma_wait3A_471 = arith.constant 0 : i32
    %dma_wait3A_472 = arith.constant 0 : i32
    %dma_wait3A_473 = tpu.memref_slice %arg6[%dma_wait3A_459, %dma_wait3A_471, %dma_wait3A_472] : memref<8x128x64xf32, #tpu.memory_space<vmem>> -> memref<1x128x64xf32, #tpu.memory_space<vmem>>
    %dma_wait3A_474 = tpu.memref_squeeze %dma_wait3A_473 : memref<1x128x64xf32, #tpu.memory_space<vmem>> -> memref<128x64xf32, #tpu.memory_space<vmem>>
    tpu.wait_dma2 semaphore(%dma_wait3A_468 : memref<!tpu.dma_semaphore, #tpu.memory_space<semaphore_mem>>) src(%dma_wait3A_474 : memref<128x64xf32, #tpu.memory_space<vmem>>) dst(%dma_wait3A_470 : memref<128x64xf32, #tpu.memory_space<hbm>>)
    %add3A_475 = arith.constant 25088 : i32
    %add3A_476 = arith.addi %mul3A_4, %add3A_475 : i32
    %multiple_of3A_477 = tpu.assume_multiple %add3A_476, 128 : i32
    %dma_wait3A_478 = arith.constant 4 : i32
    %dma_wait3A_479 = arith.constant 4 : i32
    %dma_wait3A_480 = arith.constant 0 : i32
    %dma_wait3A_481 = arith.constant 0 : i32
    %dma_wait3A_482 = tpu.memref_slice %arg6[%dma_wait3A_478, %dma_wait3A_480, %dma_wait3A_481] : memref<8x128x64xf32, #tpu.memory_space<vmem>> -> memref<1x128x64xf32, #tpu.memory_space<vmem>>
    %dma_wait3A_483 = tpu.memref_squeeze %dma_wait3A_482 : memref<1x128x64xf32, #tpu.memory_space<vmem>> -> memref<128x64xf32, #tpu.memory_space<vmem>>
    %dma_wait3A_484 = arith.constant 0 : i32
    %dma_wait3A_485 = tpu.memref_slice %arg4[%multiple_of3A_477, %dma_wait3A_484] : memref<819200x64xf32, #tpu.memory_space<hbm>> -> memref<128x64xf32, #tpu.memory_space<hbm>>
    %dma_wait3A_486 = tpu.memref_slice %arg8[%dma_wait3A_479] : memref<8x!tpu.dma_semaphore, #tpu.memory_space<semaphore_mem>> -> memref<1x!tpu.dma_semaphore, #tpu.memory_space<semaphore_mem>>
    %dma_wait3A_487 = tpu.memref_squeeze %dma_wait3A_486 : memref<1x!tpu.dma_semaphore, #tpu.memory_space<semaphore_mem>> -> memref<!tpu.dma_semaphore, #tpu.memory_space<semaphore_mem>>
    %dma_wait3A_488 = arith.constant 0 : i32
    %dma_wait3A_489 = tpu.memref_slice %arg4[%multiple_of3A_477, %dma_wait3A_488] : memref<819200x64xf32, #tpu.memory_space<hbm>> -> memref<128x64xf32, #tpu.memory_space<hbm>>
    %dma_wait3A_490 = arith.constant 0 : i32
    %dma_wait3A_491 = arith.constant 0 : i32
    %dma_wait3A_492 = tpu.memref_slice %arg6[%dma_wait3A_478, %dma_wait3A_490, %dma_wait3A_491] : memref<8x128x64xf32, #tpu.memory_space<vmem>> -> memref<1x128x64xf32, #tpu.memory_space<vmem>>
    %dma_wait3A_493 = tpu.memref_squeeze %dma_wait3A_492 : memref<1x128x64xf32, #tpu.memory_space<vmem>> -> memref<128x64xf32, #tpu.memory_space<vmem>>
    tpu.wait_dma2 semaphore(%dma_wait3A_487 : memref<!tpu.dma_semaphore, #tpu.memory_space<semaphore_mem>>) src(%dma_wait3A_493 : memref<128x64xf32, #tpu.memory_space<vmem>>) dst(%dma_wait3A_489 : memref<128x64xf32, #tpu.memory_space<hbm>>)
    %add3A_494 = arith.constant 25216 : i32
    %add3A_495 = arith.addi %mul3A_4, %add3A_494 : i32
    %multiple_of3A_496 = tpu.assume_multiple %add3A_495, 128 : i32
    %dma_wait3A_497 = arith.constant 5 : i32
    %dma_wait3A_498 = arith.constant 5 : i32
    %dma_wait3A_499 = arith.constant 0 : i32
    %dma_wait3A_500 = arith.constant 0 : i32
    %dma_wait3A_501 = tpu.memref_slice %arg6[%dma_wait3A_497, %dma_wait3A_499, %dma_wait3A_500] : memref<8x128x64xf32, #tpu.memory_space<vmem>> -> memref<1x128x64xf32, #tpu.memory_space<vmem>>
    %dma_wait3A_502 = tpu.memref_squeeze %dma_wait3A_501 : memref<1x128x64xf32, #tpu.memory_space<vmem>> -> memref<128x64xf32, #tpu.memory_space<vmem>>
    %dma_wait3A_503 = arith.constant 0 : i32
    %dma_wait3A_504 = tpu.memref_slice %arg4[%multiple_of3A_496, %dma_wait3A_503] : memref<819200x64xf32, #tpu.memory_space<hbm>> -> memref<128x64xf32, #tpu.memory_space<hbm>>
    %dma_wait3A_505 = tpu.memref_slice %arg8[%dma_wait3A_498] : memref<8x!tpu.dma_semaphore, #tpu.memory_space<semaphore_mem>> -> memref<1x!tpu.dma_semaphore, #tpu.memory_space<semaphore_mem>>
    %dma_wait3A_506 = tpu.memref_squeeze %dma_wait3A_505 : memref<1x!tpu.dma_semaphore, #tpu.memory_space<semaphore_mem>> -> memref<!tpu.dma_semaphore, #tpu.memory_space<semaphore_mem>>
    %dma_wait3A_507 = arith.constant 0 : i32
    %dma_wait3A_508 = tpu.memref_slice %arg4[%multiple_of3A_496, %dma_wait3A_507] : memref<819200x64xf32, #tpu.memory_space<hbm>> -> memref<128x64xf32, #tpu.memory_space<hbm>>
    %dma_wait3A_509 = arith.constant 0 : i32
    %dma_wait3A_510 = arith.constant 0 : i32
    %dma_wait3A_511 = tpu.memref_slice %arg6[%dma_wait3A_497, %dma_wait3A_509, %dma_wait3A_510] : memref<8x128x64xf32, #tpu.memory_space<vmem>> -> memref<1x128x64xf32, #tpu.memory_space<vmem>>
    %dma_wait3A_512 = tpu.memref_squeeze %dma_wait3A_511 : memref<1x128x64xf32, #tpu.memory_space<vmem>> -> memref<128x64xf32, #tpu.memory_space<vmem>>
    tpu.wait_dma2 semaphore(%dma_wait3A_506 : memref<!tpu.dma_semaphore, #tpu.memory_space<semaphore_mem>>) src(%dma_wait3A_512 : memref<128x64xf32, #tpu.memory_space<vmem>>) dst(%dma_wait3A_508 : memref<128x64xf32, #tpu.memory_space<hbm>>)
    %add3A_513 = arith.constant 25344 : i32
    %add3A_514 = arith.addi %mul3A_4, %add3A_513 : i32
    %multiple_of3A_515 = tpu.assume_multiple %add3A_514, 128 : i32
    %dma_wait3A_516 = arith.constant 6 : i32
    %dma_wait3A_517 = arith.constant 6 : i32
    %dma_wait3A_518 = arith.constant 0 : i32
    %dma_wait3A_519 = arith.constant 0 : i32
    %dma_wait3A_520 = tpu.memref_slice %arg6[%dma_wait3A_516, %dma_wait3A_518, %dma_wait3A_519] : memref<8x128x64xf32, #tpu.memory_space<vmem>> -> memref<1x128x64xf32, #tpu.memory_space<vmem>>
    %dma_wait3A_521 = tpu.memref_squeeze %dma_wait3A_520 : memref<1x128x64xf32, #tpu.memory_space<vmem>> -> memref<128x64xf32, #tpu.memory_space<vmem>>
    %dma_wait3A_522 = arith.constant 0 : i32
    %dma_wait3A_523 = tpu.memref_slice %arg4[%multiple_of3A_515, %dma_wait3A_522] : memref<819200x64xf32, #tpu.memory_space<hbm>> -> memref<128x64xf32, #tpu.memory_space<hbm>>
    %dma_wait3A_524 = tpu.memref_slice %arg8[%dma_wait3A_517] : memref<8x!tpu.dma_semaphore, #tpu.memory_space<semaphore_mem>> -> memref<1x!tpu.dma_semaphore, #tpu.memory_space<semaphore_mem>>
    %dma_wait3A_525 = tpu.memref_squeeze %dma_wait3A_524 : memref<1x!tpu.dma_semaphore, #tpu.memory_space<semaphore_mem>> -> memref<!tpu.dma_semaphore, #tpu.memory_space<semaphore_mem>>
    %dma_wait3A_526 = arith.constant 0 : i32
    %dma_wait3A_527 = tpu.memref_slice %arg4[%multiple_of3A_515, %dma_wait3A_526] : memref<819200x64xf32, #tpu.memory_space<hbm>> -> memref<128x64xf32, #tpu.memory_space<hbm>>
    %dma_wait3A_528 = arith.constant 0 : i32
    %dma_wait3A_529 = arith.constant 0 : i32
    %dma_wait3A_530 = tpu.memref_slice %arg6[%dma_wait3A_516, %dma_wait3A_528, %dma_wait3A_529] : memref<8x128x64xf32, #tpu.memory_space<vmem>> -> memref<1x128x64xf32, #tpu.memory_space<vmem>>
    %dma_wait3A_531 = tpu.memref_squeeze %dma_wait3A_530 : memref<1x128x64xf32, #tpu.memory_space<vmem>> -> memref<128x64xf32, #tpu.memory_space<vmem>>
    tpu.wait_dma2 semaphore(%dma_wait3A_525 : memref<!tpu.dma_semaphore, #tpu.memory_space<semaphore_mem>>) src(%dma_wait3A_531 : memref<128x64xf32, #tpu.memory_space<vmem>>) dst(%dma_wait3A_527 : memref<128x64xf32, #tpu.memory_space<hbm>>)
    %add3A_532 = arith.constant 25472 : i32
    %add3A_533 = arith.addi %mul3A_4, %add3A_532 : i32
    %multiple_of3A_534 = tpu.assume_multiple %add3A_533, 128 : i32
    %dma_wait3A_535 = arith.constant 7 : i32
    %dma_wait3A_536 = arith.constant 7 : i32
    %dma_wait3A_537 = arith.constant 0 : i32
    %dma_wait3A_538 = arith.constant 0 : i32
    %dma_wait3A_539 = tpu.memref_slice %arg6[%dma_wait3A_535, %dma_wait3A_537, %dma_wait3A_538] : memref<8x128x64xf32, #tpu.memory_space<vmem>> -> memref<1x128x64xf32, #tpu.memory_space<vmem>>
    %dma_wait3A_540 = tpu.memref_squeeze %dma_wait3A_539 : memref<1x128x64xf32, #tpu.memory_space<vmem>> -> memref<128x64xf32, #tpu.memory_space<vmem>>
    %dma_wait3A_541 = arith.constant 0 : i32
    %dma_wait3A_542 = tpu.memref_slice %arg4[%multiple_of3A_534, %dma_wait3A_541] : memref<819200x64xf32, #tpu.memory_space<hbm>> -> memref<128x64xf32, #tpu.memory_space<hbm>>
    %dma_wait3A_543 = tpu.memref_slice %arg8[%dma_wait3A_536] : memref<8x!tpu.dma_semaphore, #tpu.memory_space<semaphore_mem>> -> memref<1x!tpu.dma_semaphore, #tpu.memory_space<semaphore_mem>>
    %dma_wait3A_544 = tpu.memref_squeeze %dma_wait3A_543 : memref<1x!tpu.dma_semaphore, #tpu.memory_space<semaphore_mem>> -> memref<!tpu.dma_semaphore, #tpu.memory_space<semaphore_mem>>
    %dma_wait3A_545 = arith.constant 0 : i32
    %dma_wait3A_546 = tpu.memref_slice %arg4[%multiple_of3A_534, %dma_wait3A_545] : memref<819200x64xf32, #tpu.memory_space<hbm>> -> memref<128x64xf32, #tpu.memory_space<hbm>>
    %dma_wait3A_547 = arith.constant 0 : i32
    %dma_wait3A_548 = arith.constant 0 : i32
    %dma_wait3A_549 = tpu.memref_slice %arg6[%dma_wait3A_535, %dma_wait3A_547, %dma_wait3A_548] : memref<8x128x64xf32, #tpu.memory_space<vmem>> -> memref<1x128x64xf32, #tpu.memory_space<vmem>>
    %dma_wait3A_550 = tpu.memref_squeeze %dma_wait3A_549 : memref<1x128x64xf32, #tpu.memory_space<vmem>> -> memref<128x64xf32, #tpu.memory_space<vmem>>
    tpu.wait_dma2 semaphore(%dma_wait3A_544 : memref<!tpu.dma_semaphore, #tpu.memory_space<semaphore_mem>>) src(%dma_wait3A_550 : memref<128x64xf32, #tpu.memory_space<vmem>>) dst(%dma_wait3A_546 : memref<128x64xf32, #tpu.memory_space<hbm>>)
    return
  }
}

</mosaic_0001>

<sc_bundles>
// kernel: kernel.3.cloned.1.call-start
scs
__scs_entry_jumppad:
0x0: {  	(pc) =	sbr.rel $0x88, $3  }
0x1: {  	(tag) =	ssettag $0x0;
	lr =	simm.s32 $0x1  }
0x2: {  	[smem:$0x3F9F] =	sst lr;
	_ =	strace $0xD0000000  }
0x3: {  	_ = 	snop  }
0x4: {  	_ = 	snop  }
0x5: {  	_ = 	snop  }
0x6: {  	_ = 	snop  }
0x7: {  	_ = 	snop  }
__scs_overlays_trampoline_lowered:
0x8: {  	[smem:$0x3FAE] =	sst s0  }
0x9: {  	[smem:$0x3FAF] =	sst s1  }
0xa: {  	[smem:$0x3FB0] =	sst s2  }
0xb: {  	[smem:$0x3FB1] =	sst s3  }
0xc: {  	[smem:$0x3FB2] =	sst s4  }
0xd: {  	[smem:$0x3FB3] =	sst s5  }
0xe: {  	[smem:$0x3FB4] =	sst s6  }
0xf: {  	[smem:$0x3FB5] =	sst s7  }
0x10: {  	[smem:$0x3FB6] =	sst s8  }
0x11: {  	[smem:$0x3FB7] =	sst s9;
	s0 =	simm.s32 @!p0 $0x0  }
0x12: {  	s1 =	sld [smem:$0x3F9D];
	s0 =	simm.s32 @p0 $0x1  }
0x13: {  	[smem:$0x3FB8] =	sst s0;
	s0 =	simm.s32 @!p1 $0x0  }
0x14: {  	s2 =	sld [smem:$0x3F9C];
	s0 =	simm.s32 @p1 $0x1  }
0x15: {  	[smem:$0x3FB9] =	sst s0;
	s0 =	simm.s32 @!p2 $0x0  }
0x16: {  	s3 =	sld [smem:$0x3FDB];
	s0 =	simm.s32 @p2 $0x1  }
0x17: {  	s4 =	simm.s32 $0x1BF5;
	[smem:$0x3FBB] =	sst s0  }
0x18: {  	s0 =	sld [smem:$0x3F9E];
	_ =	swait.ge [sflag:s4], $0x0  }
0x19: {  	s7 =	sld [smem:$0x3F9F]  }
0x1a: {  	s8 =	sadd.s32 $0xFFFFE003, lr  }
0x1b: {  	s9 =	sadd.s32 $0xFFFFFEF7, lr;
	s5 =	simm.s32 $0xFFFFFFFF;
	p2 =	slt.u32 s8, $0xFFFFF086  }
0x1c: {  	p1 =	slt.u32 s9, $0xF7A;
	s5 =	simm.s32 @!p2 $0x0  }
0x1d: {  	s5 =	simm.s32 @p1 $0x1;
	p0 =	seq.s32 s7, s2  }
0x1e: {  	s7 =	smul.u32 @!p0 $0xF7A, s2;
	p2 =	seq.s32 @!p0 s5, $0x0  }
0x1f: {  	s9 =	smul.u32 $0xF7A, s1;
	s8 =	simm.s32 @!p0 $0x1BF5;
	p2 =	por !p2, p0  }
0x20: {  	[sflag:s8] =	ssyncset.s32 @!p0 $0xFFFFF086;
	s6 =	sadd.s32 @!p0 s3, s7;
	s7 =	simm.s32 @!p0 $0x108  }
0x21: {  	s3 =	sadd.s32 s3, s9;
	s6 =	sadd.s32 @!p0 $0x88, s6;
	s7 =	simm.s32 @p2 $0x1082  }
0x22: {  	[simem:s7], [sflag:s8] =	dma.local @!p0 [hbm:s6], $0xF7A  }
0x23: {  	s9 =	sor.u32 $0xD0000000, s2;
	s6 =	simm.s32 $0x108;
	_ =	swait.ge @!p0 [sflag:s8], $0x0  }
0x24: {  	s3 =	sadd.s32 $0x88, s3;
	s6 =	simm.s32 @!p1 $0x1082;
	[sflag:s4] =	ssyncset.s32 $0xFFFFF086  }
0x25: {  	[simem:s6], [sflag:s4] =	dma.local [hbm:s3], $0xF7A  }
0x26: {  	[smem:$0x3F9F] =	sst s1;
	(tag) =	ssettag s2;
	_ =	strace s9  }
0x27: {  	s1 =	sld [smem:$0x3FAF]  }
0x28: {  	s2 =	sld [smem:$0x3FB0]  }
0x29: {  	s4 =	sld [smem:$0x3FB2]  }
0x2a: {  	p0 =	seq.s32 s5, $0x0;
	s5 =	sld [smem:$0x3FB3]  }
0x2b: {  	s6 =	sld [smem:$0x3FB4]  }
0x2c: {  	s7 =	sld [smem:$0x3FB5]  }
0x2d: {  	s3 =	simm.s32 $0x108;
	s8 =	sld [smem:$0x3FB6]  }
0x2e: {  	s3 =	simm.s32 @!p0 $0x1082;
	s9 =	sld [smem:$0x3FB7]  }
0x2f: {  	lr =	sadd.s32 s0, s3;
	s0 =	sld [smem:$0x3FAE]  }
0x30: {  	s3 =	sld [smem:$0x3FB1]  }
0x31: {  	[smem:$0x3FBA] =	sst s10  }
0x32: {  	s10 =	sld [smem:$0x3FB8];
	_ =	sdelay $0x3  }
0x33: {  	p0 =	seq.s32 s10, $0x1;
	s10 =	sld [smem:$0x3FBA];
	_ =	sdelay $0x3  }
0x34: {  	[smem:$0x3FBA] =	sst s10  }
0x35: {  	s10 =	sld [smem:$0x3FB9];
	_ =	sdelay $0x3  }
0x36: {  	p1 =	seq.s32 s10, $0x1;
	s10 =	sld [smem:$0x3FBA];
	_ =	sdelay $0x3  }
0x37: {  	[smem:$0x3FBA] =	sst s10  }
0x38: {  	s10 =	sld [smem:$0x3FBB]  }
0x39: {  	_ = 	snop;
	(pc) =	sbr.ind lr, $3  }
0x3a: {  	_ = 	snop  }
0x3b: {  	_ = 	snop  }
0x3c: {  	p2 =	seq.s32 s10, $0x1;
	s10 =	sld [smem:$0x3FBA]  }
0x3d: {  	_ =	shalt  }
0x3e: {  	_ =	shalt  }
0x3f: {  	_ =	shalt  }
0x40: {  	_ =	shalt  }
0x41: {  	_ =	shalt  }
0x42: {  	_ =	shalt  }
0x43: {  	_ =	shalt  }
0x44: {  	_ =	shalt  }
0x45: {  	_ =	shalt  }
0x46: {  	_ =	shalt  }
0x47: {  	_ =	shalt  }
0x48: {  	_ =	shalt  }
0x49: {  	_ =	shalt  }
0x4a: {  	_ =	shalt  }
0x4b: {  	_ =	shalt  }
0x4c: {  	_ =	shalt  }
0x4d: {  	_ =	shalt  }
0x4e: {  	_ =	shalt  }
0x4f: {  	_ =	shalt  }
0x50: {  	_ =	shalt  }
0x51: {  	_ =	shalt  }
0x52: {  	_ =	shalt  }
0x53: {  	_ =	shalt  }
0x54: {  	_ =	shalt  }
0x55: {  	_ =	shalt  }
0x56: {  	_ =	shalt  }
0x57: {  	_ =	shalt  }
0x58: {  	_ =	shalt  }
0x59: {  	_ =	shalt  }
0x5a: {  	_ =	shalt  }
0x5b: {  	_ =	shalt  }
0x5c: {  	_ =	shalt  }
0x5d: {  	_ =	shalt  }
0x5e: {  	_ =	shalt  }
0x5f: {  	_ =	shalt  }
0x60: {  	_ =	shalt  }
0x61: {  	_ =	shalt  }
0x62: {  	_ =	shalt  }
0x63: {  	_ =	shalt  }
0x64: {  	_ =	shalt  }
0x65: {  	_ =	shalt  }
0x66: {  	_ =	shalt  }
0x67: {  	_ =	shalt  }
0x68: {  	_ =	shalt  }
0x69: {  	_ =	shalt  }
0x6a: {  	_ =	shalt  }
0x6b: {  	_ =	shalt  }
0x6c: {  	_ =	shalt  }
0x6d: {  	_ =	shalt  }
0x6e: {  	_ =	shalt  }
0x6f: {  	_ =	shalt  }
0x70: {  	_ =	shalt  }
0x71: {  	_ =	shalt  }
0x72: {  	_ =	shalt  }
0x73: {  	_ =	shalt  }
0x74: {  	_ =	shalt  }
0x75: {  	_ =	shalt  }
0x76: {  	_ =	shalt  }
0x77: {  	_ =	shalt  }
0x78: {  	_ =	shalt  }
0x79: {  	_ =	shalt  }
0x7a: {  	_ =	shalt  }
0x7b: {  	_ =	shalt  }
0x7c: {  	_ =	shalt  }
0x7d: {  	_ =	shalt  }
0x7e: {  	_ =	shalt  }
0x7f: {  	_ =	shalt  }
0x80: {  	_ =	shalt  }
0x81: {  	_ =	shalt  }
0x82: {  	_ =	shalt  }
0x83: {  	_ =	shalt  }
0x84: {  	_ =	shalt  }
0x85: {  	_ =	shalt  }
0x86: {  	_ =	shalt  }
0x87: {  	_ =	shalt  }
.Lfunc_end0:
.L_simem_size_0:
called_computation.1_lowered:
.L_overlay_start_0:
0x88: {  	s2 =	sld [smem:$0x3FD9]  }
0x89: {  	s3 =	sld [smem:$0x3FFE];
	_ =	sdelay $0x1  }
0x8a: {  	s1 =	srdreg.scid  }
0x8b: {  	s0 =	sand.u32 $0x1, s1  }
0x8c: {  	s17 =	sshll.u32 s0, $0xA;
	s2 =	sadd.s32 s3, s2  }
0x8d: {  	s2 =	sadd.s32 s2, s17  }
0x8e: {  	[smem:$0x3FC6] =	sst s2  }
0x8f: {  	_ = 	snop  }
0x90: {  	s2 =	sld [smem:$0x3FD0];
	(tm) =	ssettm $0x1  }
0x91: {  	s18 =	sld [smem:$0x3FFB];
	_ =	sdelay $0x3  }
0x92: {  	_ =	strace s18  }
0x93: {  	s3 =	sld [smem:$0x3FFC];
	_ =	sdelay $0x3  }
0x94: {  	_ =	strace s3  }
0x95: {  	s3 =	sld [smem:$0x3FFD];
	_ =	sdelay $0x3  }
0x96: {  	_ =	strace s3  }
0x97: {  	_ =	strace $0x8FFFFFFF  }
0x98: {  	s19 =	sld [smem:$0x3FDB];
	_ =	sdelay $0x1  }
0x99: {  	s4 =	simm.s32 $_scs_section_size  }
0x9a: {  	s5 =	simm.s32 $_size__tile_overlayer_lowered;
	s6 =	simm.s32 $_tile_overlayer_lowered  }
0x9b: {  	s22 =	simm.s32 $0x1BFF;
	s21 =	sshll.u32 s6, $0x1;
	s3 =	sadd.s32 s4, s19  }
0x9c: {  	s7 =	simm.s32 $0x0;
	s20 =	sshll.u32 s5, $0x1;
	s5 =	sadd.s32 s21, s3  }
0x9d: {  	[timem:s7], [sflag:s22] =	dma.local [hbm:s5], s20  }
0x9e: {  	_ =	swait.ge [sflag:s22], s20  }
0x9f: {  	s4 =	ssub.s32 $0x0, s20;
	[sflag:s22] =	ssyncset.done $0x0  }
0xa0: {  	[sflag:s22] =	ssyncadd.s32 s4;
	_ =	sdelay $0x1  }
0xa1: {  	s23 =	simm.s32 $0x1B8B  }
0xa2: {  	_ =	swait.ge [sflag:s23], $0x1  }
0xa3: {  	[sflag:s23] =	ssyncset.done $0x0  }
0xa4: {  	s25 =	simm.s32 $0x1B8E;
	s24 =	sld [smem:$0x3FFE];
	[sflag:s23] =	ssyncadd.s32 $0xFFFFFFFF  }
0xa5: {  	s26 =	simm.s32 $execute0_lowered;
	[smem:$0x3FD2] =	sst s25  }
0xa6: {  	s5 =	sshll.u32 s26, $0x1;
	_ =	strace $0x80000046;
	[dreg:$0x1] =	wrdreg $0xFFFFFFFF  }
0xa7: {  	s28 =	simm.s32 $_size_execute0_lowered;
	s3 =	sadd.s32 s3, s5;
	[dreg:$0x0] =	wrdreg $0x0  }
0xa8: {  	s5 =	sshll.u32 s28, $0x1;
	[dreg:$0x2] =	wrdreg s3  }
0xa9: {  	[dreg:$0x3] =	wrdreg s5  }
0xaa: {  	[dreg:$0x4] =	wrdreg $0xC0  }
0xab: {  	_ =	task [dreg:s7], $0x5FFFF  }
0xac: {  	[dreg:$0x1] =	wrdreg $0xFFFFFFFF  }
0xad: {  	[dreg:$0x0] =	wrdreg $0x60  }
0xae: {  	[dreg:$0x2] =	wrdreg s24  }
0xaf: {  	[dreg:$0x3] =	wrdreg s2  }
0xb0: {  	[dreg:$0x4] =	wrdreg $0x9  }
0xb1: {  	_ =	task.clear_ibuf [dreg:s7], $0x5FFFF;
	_ =	strace $0x90000046  }
0xb2: {  	s29 =	simm.s32 $0x9;
	_ =	strace $0x80000048  }
0xb3: {  	_ =	swait.ge [sflag:s29], $0x1  }
0xb4: {  	[sflag:s29] =	ssyncadd.s32 $0xFFFFFFFF  }
0xb5: {  	_ =	strace $0x90000048  }
0xb6: {  	_ =	sfence  }
0xb7: {  	s30 =	sld [smem:$0x0];
	_ =	sdelay $0x2  }
0xb8: {  	s31 =	sshll.u32 s1, $0xD;
	s1 =	sshrl.u32 s1, $0x2  }
0xb9: {  	s3 =	sand.u32 $0x4000, s31;
	s1 =	sadd.s32 s1, s30  }
0xba: {  	s0 =	sor.u32 s3, s0;
	s1 =	sshll.u32 s1, $0x11  }
0xbb: {  	s0 =	sor.u32 s1, s0  }
0xbc: {  	s0 =	sadd.s32 $0x8F2B, s0  }
0xbd: {  	[sflag:s0] =	ssyncadd.remote.s32 $0x1  }
0xbe: {  	_ =	sfence.sel $0xFFFF  }
0xbf: {  	[dreg:$0x0] =	wrdreg $0xFFFFFFFF;
	(pc) =	sbr.abs _section_cstart, $3  }
0xc0: {  	[dreg:$0x1] =	wrdreg $0xFFFFFFFF  }
0xc1: {  	_ =	task.clear_ibuf [dreg:s7], $0x2FFFF;
	_ =	strace $0x9FFFFFFF  }
0xc2: {  	(tm) =	ssettm $0x7FFFFFFF  }
0xc3: {  	_ =	shalt  }
tec
execute0_lowered:
.L_overlay_start_1:
0x0: {  	(tag) =	ssettag $0x1  }
0x1: {  	s0 =	srdreg.scid;
	s10 =	stileid.u32  }
0x2: {  	s0 =	sand.u32 $0x1, s0;
	s7 =	smul.u32 $0x190000, s10  }
0x3: {  	s6 =	smul.u32 $0x1900000, s0  }
0x4: {  	s1 =	sshll.u32 s0, $0x4;
	s8 =	ssub.s32 $0x2, s0;
	s0 =	smul.u32 $0x64000, s0  }
0x5: {  	s3 =	rddreg [dreg:$0x0];
	s1 =	sor.u32 s10, s1;
	s10 =	smul.u32 $0x6400, s10  }
0x6: {  	s4 =	rddreg [dreg:$0x1];
	s2 =	simm.s32 $0x0;
	s5 =	smul.u32 $0xC80, s1  }
0x7: {  	[smem:$0x7FF] =	sst s2;
	s9 =	sshrl.u32 s8, $0x1;
	s1 =	smul.u32 $0x190000, s1  }
0x8: {  	_ =	strace $0x80000047;
	s8 =	ssub.s32 s8, s9;
	s0 =	sadd.s32 s10, s0  }
0x9: {  	s28 =	smax.u32 s8, $0x1;
	s5 =	sadd.s32 s5, s3;
	s1 =	sshrl.u32 s1, $0x3  }
0xa: {  	[dreg:$0x14] =	wrdreg s28;
	s5 =	sadd.s32 $0xA00, s5;
	s1 =	sadd.s32 s4, s1  }
0xb: {  	s0 =	sshll.u32 s0, $0x3;
	[dreg:$0xb] =	wrdreg s5;
	s14 =	sadd.s32 $0x30000, s1  }
0xc: {  	s0 =	sadd.s32 s0, s4;
	s16 =	sadd.s32 $0x30400, s1;
	[dreg:$0xc] =	wrdreg s14  }
0xd: {  	s29 =	simm.s32 $0x9;
	s15 =	sadd.s32 $0x1C00, s0;
	[dreg:$0xd] =	wrdreg s16  }
0xe: {  	s12 =	simm.s32 $0x0;
	s18 =	sadd.s32 $0x30800, s1;
	[dreg:$0x4] =	wrdreg s15  }
0xf: {  	s31 =	simm.s32 $0x14400;
	s17 =	sadd.s32 $0x1800, s0;
	[dreg:$0xe] =	wrdreg s18  }
0x10: {  	s30 =	simm.s32 $0x12400;
	s20 =	sadd.s32 $0x30C00, s1;
	[dreg:$0x5] =	wrdreg s17  }
0x11: {  	s13 =	sadd.s32 s7, s6;
	s19 =	sadd.s32 $0x1400, s0;
	[dreg:$0xf] =	wrdreg s20  }
0x12: {  	s6 =	simm.s32 $0xC;
	s22 =	sadd.s32 $0x31000, s1;
	[dreg:$0x6] =	wrdreg s19  }
0x13: {  	s7 =	simm.s32 $0xD;
	s21 =	sadd.s32 $0x1000, s0;
	[dreg:$0x10] =	wrdreg s22  }
0x14: {  	s9 =	simm.s32 $0xF;
	s24 =	sadd.s32 $0x31400, s1;
	[dreg:$0x7] =	wrdreg s21  }
0x15: {  	s8 =	simm.s32 $0xE;
	s23 =	sadd.s32 $0xC00, s0;
	[dreg:$0x11] =	wrdreg s24  }
0x16: {  	s10 =	simm.s32 $0x10;
	s26 =	sadd.s32 $0x31800, s1;
	[dreg:$0x8] =	wrdreg s23  }
0x17: {  	s3 =	sadd.s32 $0xF43000, s3;
	s25 =	sadd.s32 $0x800, s0;
	[dreg:$0x12] =	wrdreg s26  }
0x18: {  	s5 =	sshrl.u32 s13, $0x3;
	s1 =	sadd.s32 $0x31C00, s1;
	[dreg:$0x9] =	wrdreg s25  }
0x19: {  	s0 =	sadd.s32 $0x400, s0;
	s5 =	sadd.s32 s5, s4;
	[dreg:$0x13] =	wrdreg s1  }
0x1a: {  	[dreg:$0xa] =	wrdreg s0;
	s15 =	simm.s32 $0x80;
	s1 =	simm.s32 $0x2  }
0x1b: {  	s0 =	simm.s32 $0x3;
	s18 =	simm.s32 $0x4;
	s20 =	simm.s32 $0x5  }
0x1c: {  	s22 =	simm.s32 $0x6;
	s24 =	simm.s32 $0x7;
	s26 =	simm.s32 $0x8  }
0x1d: {  	s4 =	simm.s32 $0xA;
	[dreg:$0x3] =	wrdreg s5;
	s5 =	simm.s32 $0xB  }
.LBB2_1:
0x1e: {  	[dreg:$0x15] =	wrdreg s12  }
0x1f: {  	s11 =	rddreg [dreg:$0xb];
	s14 =	simm.s32 $0x11  }
0x20: {  	[tilespmem:s2], [sflag:$0x11] =	stream.linear.gather [hbm4b:s11+s2], $0x6400, $0x38;
	[tilespmem:$0x16400] =	vst v63  }
0x21: {  	_ =	swait.ge [sflag:s14], $0x6400  }
0x22: {  	[sflag:s14] =	ssyncset.done $0x0  }
0x23: {  	s12 =	simm.s32 $0x6400;
	[sflag:s14] =	ssyncadd.s32 $0xFFFF9C00  }
0x24: {  	[tilespmem:s12], [sflag:$0x1] =	stream.indirect.gather [hbm4b:s3+s15], $0x40, s2, s15, $0xb8;
	[tilespmem:$0x16400] =	vst v63  }
0x25: {  	s13 =	simm.s32 $0x8400  }
0x26: {  	[tilespmem:s13], [sflag:$0x2] =	stream.indirect.gather [hbm4b:s3+s15], $0x40, s15, s15, $0xb8;
	[tilespmem:$0x16400] =	vst v63  }
0x27: {  	s16 =	simm.s32 $0x100;
	s14 =	simm.s32 $0xA400  }
0x28: {  	[tilespmem:s14], [sflag:$0x3] =	stream.indirect.gather [hbm4b:s3+s15], $0x40, s16, s15, $0xb8;
	[tilespmem:$0x16400] =	vst v63  }
0x29: {  	s17 =	simm.s32 $0x180;
	s16 =	simm.s32 $0xC400  }
0x2a: {  	[tilespmem:s16], [sflag:$0x4] =	stream.indirect.gather [hbm4b:s3+s15], $0x40, s17, s15, $0xb8;
	[tilespmem:$0x16400] =	vst v63  }
0x2b: {  	s19 =	simm.s32 $0x200;
	s17 =	simm.s32 $0xE400  }
0x2c: {  	[tilespmem:s17], [sflag:$0x5] =	stream.indirect.gather [hbm4b:s3+s15], $0x40, s19, s15, $0xb8;
	[tilespmem:$0x16400] =	vst v63  }
0x2d: {  	s21 =	simm.s32 $0x280;
	s19 =	simm.s32 $0x10400  }
0x2e: {  	[tilespmem:s19], [sflag:$0x6] =	stream.indirect.gather [hbm4b:s3+s15], $0x40, s21, s15, $0xb8;
	[tilespmem:$0x16400] =	vst v63  }
0x2f: {  	s23 =	simm.s32 $0x300;
	s21 =	simm.s32 $0x12400  }
0x30: {  	[tilespmem:s21], [sflag:$0x7] =	stream.indirect.gather [hbm4b:s3+s15], $0x40, s23, s15, $0xb8;
	[tilespmem:$0x16400] =	vst v63  }
0x31: {  	s25 =	simm.s32 $0x380;
	s23 =	simm.s32 $0x14400  }
0x32: {  	[tilespmem:s23], [sflag:$0x8] =	stream.indirect.gather [hbm4b:s3+s15], $0x40, s25, s15, $0xb8;
	[tilespmem:$0x16400] =	vst v63  }
0x33: {  	s25 =	simm.s32 $0x1  }
0x34: {  	_ =	swait.ge [sflag:s25], $0x2000  }
0x35: {  	s28 =	rddreg [dreg:$0x3];
	[sflag:s25] =	ssyncset.done $0x0  }
0x36: {  	[sflag:s25] =	ssyncadd.s32 $0xFFFFE000;
	s11 =	sadd.s32 $0x0, s28  }
0x37: {  	[hbm4b:s11+s2] =	stream.linear.scatter [tilespmem:s12], [sflag:$0x9], $0x2000, $0x38;
	[tilespmem:$0x16400] =	vst v63  }
0x38: {  	_ =	swait.ge [sflag:s1], $0x2000  }
0x39: {  	s25 =	rddreg [dreg:$0xa];
	[sflag:s1] =	ssyncset.done $0x0  }
0x3a: {  	[sflag:s1] =	ssyncadd.s32 $0xFFFFE000;
	s11 =	sadd.s32 $0x0, s25  }
0x3b: {  	[hbm4b:s11+s2] =	stream.linear.scatter [tilespmem:s13], [sflag:$0xA], $0x2000, $0x38;
	[tilespmem:$0x16400] =	vst v63  }
0x3c: {  	_ =	swait.ge [sflag:s0], $0x2000  }
0x3d: {  	s28 =	rddreg [dreg:$0x9];
	[sflag:s0] =	ssyncset.done $0x0  }
0x3e: {  	[sflag:s0] =	ssyncadd.s32 $0xFFFFE000;
	s11 =	sadd.s32 $0x0, s28  }
0x3f: {  	[hbm4b:s11+s2] =	stream.linear.scatter [tilespmem:s14], [sflag:$0xB], $0x2000, $0x38;
	[tilespmem:$0x16400] =	vst v63  }
0x40: {  	_ =	swait.ge [sflag:s18], $0x2000  }
0x41: {  	s25 =	rddreg [dreg:$0x8];
	[sflag:s18] =	ssyncset.done $0x0  }
0x42: {  	[sflag:s18] =	ssyncadd.s32 $0xFFFFE000;
	s11 =	sadd.s32 $0x0, s25  }
0x43: {  	[hbm4b:s11+s2] =	stream.linear.scatter [tilespmem:s16], [sflag:$0xC], $0x2000, $0x38;
	[tilespmem:$0x16400] =	vst v63  }
0x44: {  	_ =	swait.ge [sflag:s20], $0x2000  }
0x45: {  	s28 =	rddreg [dreg:$0x7];
	[sflag:s20] =	ssyncset.done $0x0  }
0x46: {  	[sflag:s20] =	ssyncadd.s32 $0xFFFFE000;
	s11 =	sadd.s32 $0x0, s28  }
0x47: {  	[hbm4b:s11+s2] =	stream.linear.scatter [tilespmem:s17], [sflag:$0xD], $0x2000, $0x38;
	[tilespmem:$0x16400] =	vst v63  }
0x48: {  	_ =	swait.ge [sflag:s22], $0x2000  }
0x49: {  	s25 =	rddreg [dreg:$0x6];
	[sflag:s22] =	ssyncset.done $0x0  }
0x4a: {  	[sflag:s22] =	ssyncadd.s32 $0xFFFFE000;
	s11 =	sadd.s32 $0x0, s25  }
0x4b: {  	[hbm4b:s11+s2] =	stream.linear.scatter [tilespmem:s19], [sflag:$0xE], $0x2000, $0x38;
	[tilespmem:$0x16400] =	vst v63  }
0x4c: {  	_ =	swait.ge [sflag:s24], $0x2000  }
0x4d: {  	s28 =	rddreg [dreg:$0x5];
	[sflag:s24] =	ssyncset.done $0x0  }
0x4e: {  	[sflag:s24] =	ssyncadd.s32 $0xFFFFE000;
	s11 =	sadd.s32 $0x0, s28  }
0x4f: {  	[hbm4b:s11+s2] =	stream.linear.scatter [tilespmem:s21], [sflag:$0xF], $0x2000, $0x38;
	[tilespmem:$0x16400] =	vst v63  }
0x50: {  	_ =	swait.ge [sflag:s26], $0x2000  }
0x51: {  	s25 =	rddreg [dreg:$0x4];
	[sflag:s26] =	ssyncset.done $0x0  }
0x52: {  	[sflag:s26] =	ssyncadd.s32 $0xFFFFE000;
	s11 =	sadd.s32 $0x0, s25  }
0x53: {  	[hbm4b:s11+s2] =	stream.linear.scatter [tilespmem:s23], [sflag:$0x10], $0x2000, $0x38;
	[tilespmem:$0x16400] =	vst v63  }
0x54: {  	_ =	swait.ge [sflag:s29], $0x2000  }
0x55: {  	[sflag:s29] =	ssyncset.done $0x0  }
0x56: {  	s28 =	simm.s32 $0x400;
	[sflag:s29] =	ssyncadd.s32 $0xFFFFE000  }
0x57: {  	[tilespmem:s12], [sflag:$0x1] =	stream.indirect.gather [hbm4b:s3+s15], $0x40, s28, s15, $0xb8;
	[tilespmem:$0x16400] =	vst v63  }
0x58: {  	_ =	swait.ge [sflag:s4], $0x2000  }
0x59: {  	[sflag:s4] =	ssyncset.done $0x0  }
0x5a: {  	s12 =	simm.s32 $0x480;
	[sflag:s4] =	ssyncadd.s32 $0xFFFFE000  }
0x5b: {  	[tilespmem:s13], [sflag:$0x2] =	stream.indirect.gather [hbm4b:s3+s15], $0x40, s12, s15, $0xb8;
	[tilespmem:$0x16400] =	vst v63  }
0x5c: {  	_ =	swait.ge [sflag:s5], $0x2000  }
0x5d: {  	[sflag:s5] =	ssyncset.done $0x0  }
0x5e: {  	s13 =	simm.s32 $0x500;
	[sflag:s5] =	ssyncadd.s32 $0xFFFFE000  }
0x5f: {  	[tilespmem:s14], [sflag:$0x3] =	stream.indirect.gather [hbm4b:s3+s15], $0x40, s13, s15, $0xb8;
	[tilespmem:$0x16400] =	vst v63  }
0x60: {  	_ =	swait.ge [sflag:s6], $0x2000  }
0x61: {  	[sflag:s6] =	ssyncset.done $0x0  }
0x62: {  	s14 =	simm.s32 $0x580;
	[sflag:s6] =	ssyncadd.s32 $0xFFFFE000  }
0x63: {  	[tilespmem:s16], [sflag:$0x4] =	stream.indirect.gather [hbm4b:s3+s15], $0x40, s14, s15, $0xb8;
	[tilespmem:$0x16400] =	vst v63  }
0x64: {  	_ =	swait.ge [sflag:s7], $0x2000  }
0x65: {  	[sflag:s7] =	ssyncset.done $0x0  }
0x66: {  	s23 =	simm.s32 $0x600;
	[sflag:s7] =	ssyncadd.s32 $0xFFFFE000  }
0x67: {  	[tilespmem:s17], [sflag:$0x5] =	stream.indirect.gather [hbm4b:s3+s15], $0x40, s23, s15, $0xb8;
	[tilespmem:$0x16400] =	vst v63  }
0x68: {  	_ =	swait.ge [sflag:s8], $0x2000  }
0x69: {  	[sflag:s8] =	ssyncset.done $0x0  }
0x6a: {  	s25 =	simm.s32 $0x680;
	[sflag:s8] =	ssyncadd.s32 $0xFFFFE000  }
0x6b: {  	[tilespmem:s19], [sflag:$0x6] =	stream.indirect.gather [hbm4b:s3+s15], $0x40, s25, s15, $0xb8;
	[tilespmem:$0x16400] =	vst v63  }
0x6c: {  	_ =	swait.ge [sflag:s9], $0x2000  }
0x6d: {  	[sflag:s9] =	ssyncset.done $0x0  }
0x6e: {  	s28 =	simm.s32 $0x700;
	[sflag:s9] =	ssyncadd.s32 $0xFFFFE000  }
0x6f: {  	[tilespmem:s21], [sflag:$0x7] =	stream.indirect.gather [hbm4b:s3+s15], $0x40, s28, s15, $0xb8;
	[tilespmem:$0x16400] =	vst v63  }
0x70: {  	_ =	swait.ge [sflag:s10], $0x2000  }
0x71: {  	s12 =	simm.s32 $0x780;
	[sflag:s10] =	ssyncset.done $0x0  }
0x72: {  	s13 =	simm.s32 $0x2000;
	s14 =	simm.s32 $0xB80;
	[sflag:s10] =	ssyncadd.s32 $0xFFFFE000  }
.LBB2_2:
0x73: {  	[tilespmem:s31], [sflag:$0x8] =	stream.indirect.gather [hbm4b:s3+s15], $0x40, s12, s15, $0xb8;
	[tilespmem:$0x16400] =	vst v63  }
0x74: {  	s17 =	simm.s32 $0x1  }
0x75: {  	_ =	swait.ge [sflag:s17], $0x2000  }
0x76: {  	s11 =	smov.u32 s13;
	s16 =	rddreg [dreg:$0x3];
	[sflag:s17] =	ssyncset.done $0x0  }
0x77: {  	[sflag:s17] =	ssyncadd.s32 $0xFFFFE000;
	s16 =	sadd.s32 s11, s16;
	s17 =	simm.s32 $0x6400  }
0x78: {  	[hbm4b:s16+s2] =	stream.linear.scatter [tilespmem:s17], [sflag:$0x9], $0x2000, $0x38;
	[tilespmem:$0x16400] =	vst v63  }
0x79: {  	_ =	swait.ge [sflag:s1], $0x2000  }
0x7a: {  	s19 =	rddreg [dreg:$0xa];
	[sflag:s1] =	ssyncset.done $0x0  }
0x7b: {  	[sflag:s1] =	ssyncadd.s32 $0xFFFFE000;
	s16 =	sadd.s32 s11, s19;
	s19 =	simm.s32 $0x8400  }
0x7c: {  	[hbm4b:s16+s2] =	stream.linear.scatter [tilespmem:s19], [sflag:$0xA], $0x2000, $0x38;
	[tilespmem:$0x16400] =	vst v63  }
0x7d: {  	_ =	swait.ge [sflag:s0], $0x2000  }
0x7e: {  	s21 =	rddreg [dreg:$0x9];
	[sflag:s0] =	ssyncset.done $0x0  }
0x7f: {  	[sflag:s0] =	ssyncadd.s32 $0xFFFFE000;
	s16 =	sadd.s32 s11, s21;
	s21 =	simm.s32 $0xA400  }
0x80: {  	[hbm4b:s16+s2] =	stream.linear.scatter [tilespmem:s21], [sflag:$0xB], $0x2000, $0x38;
	[tilespmem:$0x16400] =	vst v63  }
0x81: {  	_ =	swait.ge [sflag:s18], $0x2000  }
0x82: {  	s23 =	rddreg [dreg:$0x8];
	[sflag:s18] =	ssyncset.done $0x0  }
0x83: {  	[sflag:s18] =	ssyncadd.s32 $0xFFFFE000;
	s16 =	sadd.s32 s11, s23;
	s23 =	simm.s32 $0xC400  }
0x84: {  	[hbm4b:s16+s2] =	stream.linear.scatter [tilespmem:s23], [sflag:$0xC], $0x2000, $0x38;
	[tilespmem:$0x16400] =	vst v63  }
0x85: {  	_ =	swait.ge [sflag:s20], $0x2000  }
0x86: {  	s25 =	rddreg [dreg:$0x7];
	[sflag:s20] =	ssyncset.done $0x0  }
0x87: {  	[sflag:s20] =	ssyncadd.s32 $0xFFFFE000;
	s16 =	sadd.s32 s11, s25;
	s25 =	simm.s32 $0xE400  }
0x88: {  	[hbm4b:s16+s2] =	stream.linear.scatter [tilespmem:s25], [sflag:$0xD], $0x2000, $0x38;
	[tilespmem:$0x16400] =	vst v63  }
0x89: {  	_ =	swait.ge [sflag:s22], $0x2000  }
0x8a: {  	s16 =	rddreg [dreg:$0x6];
	[sflag:s22] =	ssyncset.done $0x0  }
0x8b: {  	s28 =	simm.s32 $0x10400;
	[sflag:s22] =	ssyncadd.s32 $0xFFFFE000;
	s16 =	sadd.s32 s11, s16  }
0x8c: {  	[hbm4b:s16+s2] =	stream.linear.scatter [tilespmem:s28], [sflag:$0xE], $0x2000, $0x38;
	[tilespmem:$0x16400] =	vst v63  }
0x8d: {  	_ =	swait.ge [sflag:s24], $0x2000  }
0x8e: {  	s16 =	rddreg [dreg:$0x5];
	[sflag:s24] =	ssyncset.done $0x0  }
0x8f: {  	[sflag:s24] =	ssyncadd.s32 $0xFFFFE000;
	s16 =	sadd.s32 s11, s16  }
0x90: {  	[hbm4b:s16+s2] =	stream.linear.scatter [tilespmem:s30], [sflag:$0xF], $0x2000, $0x38;
	[tilespmem:$0x16400] =	vst v63  }
0x91: {  	_ =	swait.ge [sflag:s26], $0x2000  }
0x92: {  	s16 =	rddreg [dreg:$0x4];
	[sflag:s26] =	ssyncset.done $0x0  }
0x93: {  	[sflag:s26] =	ssyncadd.s32 $0xFFFFE000;
	s11 =	sadd.s32 s11, s16  }
0x94: {  	[hbm4b:s11+s2] =	stream.linear.scatter [tilespmem:s31], [sflag:$0x10], $0x2000, $0x38;
	[tilespmem:$0x16400] =	vst v63  }
0x95: {  	_ =	swait.ge [sflag:s29], $0x2000  }
0x96: {  	[sflag:s29] =	ssyncset.done $0x0  }
0x97: {  	s11 =	sadd.s32 $0xFFFFFC80, s14;
	[sflag:s29] =	ssyncadd.s32 $0xFFFFE000  }
0x98: {  	[tilespmem:s17], [sflag:$0x1] =	stream.indirect.gather [hbm4b:s3+s15], $0x40, s11, s15, $0xb8;
	[tilespmem:$0x16400] =	vst v63  }
0x99: {  	_ =	swait.ge [sflag:s4], $0x2000  }
0x9a: {  	[sflag:s4] =	ssyncset.done $0x0  }
0x9b: {  	s11 =	sadd.s32 $0xFFFFFD00, s14;
	[sflag:s4] =	ssyncadd.s32 $0xFFFFE000  }
0x9c: {  	[tilespmem:s19], [sflag:$0x2] =	stream.indirect.gather [hbm4b:s3+s15], $0x40, s11, s15, $0xb8;
	[tilespmem:$0x16400] =	vst v63  }
0x9d: {  	_ =	swait.ge [sflag:s5], $0x2000  }
0x9e: {  	[sflag:s5] =	ssyncset.done $0x0  }
0x9f: {  	s11 =	sadd.s32 $0xFFFFFD80, s14;
	[sflag:s5] =	ssyncadd.s32 $0xFFFFE000  }
0xa0: {  	[tilespmem:s21], [sflag:$0x3] =	stream.indirect.gather [hbm4b:s3+s15], $0x40, s11, s15, $0xb8;
	[tilespmem:$0x16400] =	vst v63  }
0xa1: {  	_ =	swait.ge [sflag:s6], $0x2000  }
0xa2: {  	[sflag:s6] =	ssyncset.done $0x0  }
0xa3: {  	s11 =	sadd.s32 $0xFFFFFE00, s14;
	[sflag:s6] =	ssyncadd.s32 $0xFFFFE000  }
0xa4: {  	[tilespmem:s23], [sflag:$0x4] =	stream.indirect.gather [hbm4b:s3+s15], $0x40, s11, s15, $0xb8;
	[tilespmem:$0x16400] =	vst v63  }
0xa5: {  	_ =	swait.ge [sflag:s7], $0x2000  }
0xa6: {  	[sflag:s7] =	ssyncset.done $0x0  }
0xa7: {  	s11 =	sadd.s32 $0xFFFFFE80, s14;
	[sflag:s7] =	ssyncadd.s32 $0xFFFFE000  }
0xa8: {  	[tilespmem:s25], [sflag:$0x5] =	stream.indirect.gather [hbm4b:s3+s15], $0x40, s11, s15, $0xb8;
	[tilespmem:$0x16400] =	vst v63  }
0xa9: {  	_ =	swait.ge [sflag:s8], $0x2000  }
0xaa: {  	[sflag:s8] =	ssyncset.done $0x0  }
0xab: {  	s12 =	smov.u32 s14;
	s11 =	sadd.s32 $0xFFFFFF00, s14;
	[sflag:s8] =	ssyncadd.s32 $0xFFFFE000  }
0xac: {  	[tilespmem:s28], [sflag:$0x6] =	stream.indirect.gather [hbm4b:s3+s15], $0x40, s11, s15, $0xb8;
	[tilespmem:$0x16400] =	vst v63  }
0xad: {  	p0 =	sne.s32 s13, $0x2E000;
	s13 =	sadd.s32 $0x2000, s13;
	_ =	swait.ge [sflag:s9], $0x2000  }
0xae: {  	s16 =	simm.s32 $0x6400;
	s17 =	simm.s32 $0x8400;
	[sflag:s9] =	ssyncset.done $0x0  }
.Ltmp0:
0xaf: {  	s11 =	sadd.s32 $0xFFFFFF80, s14;
	[sflag:s9] =	ssyncadd.s32 $0xFFFFE000;
	(pc) =	sbr.rel @p0 .LBB2_2-.Ltmp0, $4  }
0xb0: {  	[tilespmem:s30], [sflag:$0x7] =	stream.indirect.gather [hbm4b:s3+s15], $0x40, s11, s15, $0xb8;
	[tilespmem:$0x16400] =	vst v63  }
0xb1: {  	s19 =	simm.s32 $0xA400;
	s21 =	simm.s32 $0xC400;
	_ =	swait.ge [sflag:s10], $0x2000  }
0xb2: {  	s23 =	simm.s32 $0xE400;
	s25 =	simm.s32 $0x10400;
	[sflag:s10] =	ssyncset.done $0x0  }
0xb3: {  	s28 =	simm.s32 $0x12400;
	s14 =	sadd.s32 $0x400, s14;
	[sflag:s10] =	ssyncadd.s32 $0xFFFFE000  }
0xb4: {  	s13 =	simm.s32 $0x14400;
	s11 =	simm.s32 $0x1  }
0xb5: {  	[tilespmem:s13], [sflag:$0x8] =	stream.indirect.gather [hbm4b:s3+s15], $0x40, s12, s15, $0xb8;
	[tilespmem:$0x16400] =	vst v63  }
0xb6: {  	_ =	swait.ge [sflag:s11], $0x2000  }
0xb7: {  	[sflag:s11] =	ssyncset.done $0x0  }
0xb8: {  	s14 =	rddreg [dreg:$0xc];
	[sflag:s11] =	ssyncadd.s32 $0xFFFFE000  }
0xb9: {  	[hbm4b:s14+s2] =	stream.linear.scatter [tilespmem:s16], [sflag:$0x9], $0x2000, $0x38;
	[tilespmem:$0x16400] =	vst v63  }
0xba: {  	_ =	swait.ge [sflag:s1], $0x2000  }
0xbb: {  	[sflag:s1] =	ssyncset.done $0x0  }
0xbc: {  	s12 =	rddreg [dreg:$0xd];
	[sflag:s1] =	ssyncadd.s32 $0xFFFFE000  }
0xbd: {  	[hbm4b:s12+s2] =	stream.linear.scatter [tilespmem:s17], [sflag:$0xA], $0x2000, $0x38;
	[tilespmem:$0x16400] =	vst v63  }
0xbe: {  	_ =	swait.ge [sflag:s0], $0x2000  }
0xbf: {  	[sflag:s0] =	ssyncset.done $0x0  }
0xc0: {  	s14 =	rddreg [dreg:$0xe];
	[sflag:s0] =	ssyncadd.s32 $0xFFFFE000  }
0xc1: {  	[hbm4b:s14+s2] =	stream.linear.scatter [tilespmem:s19], [sflag:$0xB], $0x2000, $0x38;
	[tilespmem:$0x16400] =	vst v63  }
0xc2: {  	_ =	swait.ge [sflag:s18], $0x2000  }
0xc3: {  	[sflag:s18] =	ssyncset.done $0x0  }
0xc4: {  	s16 =	rddreg [dreg:$0xf];
	[sflag:s18] =	ssyncadd.s32 $0xFFFFE000  }
0xc5: {  	[hbm4b:s16+s2] =	stream.linear.scatter [tilespmem:s21], [sflag:$0xC], $0x2000, $0x38;
	[tilespmem:$0x16400] =	vst v63  }
0xc6: {  	_ =	swait.ge [sflag:s20], $0x2000  }
0xc7: {  	[sflag:s20] =	ssyncset.done $0x0  }
0xc8: {  	s17 =	rddreg [dreg:$0x10];
	[sflag:s20] =	ssyncadd.s32 $0xFFFFE000  }
0xc9: {  	[hbm4b:s17+s2] =	stream.linear.scatter [tilespmem:s23], [sflag:$0xD], $0x2000, $0x38;
	[tilespmem:$0x16400] =	vst v63  }
0xca: {  	_ =	swait.ge [sflag:s22], $0x2000  }
0xcb: {  	[sflag:s22] =	ssyncset.done $0x0  }
0xcc: {  	s19 =	rddreg [dreg:$0x11];
	[sflag:s22] =	ssyncadd.s32 $0xFFFFE000  }
0xcd: {  	[hbm4b:s19+s2] =	stream.linear.scatter [tilespmem:s25], [sflag:$0xE], $0x2000, $0x38;
	[tilespmem:$0x16400] =	vst v63  }
0xce: {  	_ =	swait.ge [sflag:s24], $0x2000  }
0xcf: {  	[sflag:s24] =	ssyncset.done $0x0  }
0xd0: {  	s21 =	rddreg [dreg:$0x12];
	[sflag:s24] =	ssyncadd.s32 $0xFFFFE000  }
0xd1: {  	[hbm4b:s21+s2] =	stream.linear.scatter [tilespmem:s28], [sflag:$0xF], $0x2000, $0x38;
	[tilespmem:$0x16400] =	vst v63  }
0xd2: {  	_ =	swait.ge [sflag:s26], $0x2000  }
0xd3: {  	[sflag:s26] =	ssyncset.done $0x0  }
0xd4: {  	s23 =	rddreg [dreg:$0x13];
	[sflag:s26] =	ssyncadd.s32 $0xFFFFE000  }
0xd5: {  	[hbm4b:s23+s2] =	stream.linear.scatter [tilespmem:s13], [sflag:$0x10], $0x2000, $0x38;
	[tilespmem:$0x16400] =	vst v63  }
0xd6: {  	_ =	swait.ge [sflag:s29], $0x2000  }
0xd7: {  	[sflag:s29] =	ssyncset.done $0x0  }
0xd8: {  	[sflag:s29] =	ssyncadd.s32 $0xFFFFE000  }
0xd9: {  	_ =	swait.ge [sflag:s4], $0x2000  }
0xda: {  	[sflag:s4] =	ssyncset.done $0x0  }
0xdb: {  	[sflag:s4] =	ssyncadd.s32 $0xFFFFE000  }
0xdc: {  	_ =	swait.ge [sflag:s5], $0x2000  }
0xdd: {  	[sflag:s5] =	ssyncset.done $0x0  }
0xde: {  	[sflag:s5] =	ssyncadd.s32 $0xFFFFE000  }
0xdf: {  	_ =	swait.ge [sflag:s6], $0x2000  }
0xe0: {  	[sflag:s6] =	ssyncset.done $0x0  }
0xe1: {  	[sflag:s6] =	ssyncadd.s32 $0xFFFFE000  }
0xe2: {  	_ =	swait.ge [sflag:s7], $0x2000  }
0xe3: {  	[sflag:s7] =	ssyncset.done $0x0  }
0xe4: {  	[sflag:s7] =	ssyncadd.s32 $0xFFFFE000  }
0xe5: {  	_ =	swait.ge [sflag:s8], $0x2000  }
0xe6: {  	[sflag:s8] =	ssyncset.done $0x0  }
0xe7: {  	[sflag:s8] =	ssyncadd.s32 $0xFFFFE000  }
0xe8: {  	_ =	swait.ge [sflag:s9], $0x2000  }
0xe9: {  	[sflag:s9] =	ssyncset.done $0x0  }
0xea: {  	[sflag:s9] =	ssyncadd.s32 $0xFFFFE000  }
0xeb: {  	_ =	swait.ge [sflag:s10], $0x2000  }
0xec: {  	s25 =	rddreg [dreg:$0x15]  }
0xed: {  	s28 =	rddreg [dreg:$0x14];
	s12 =	sadd.s32 $0x1, s25  }
0xee: {  	p0 =	sne.s32 s12, s28  }
.Ltmp1:
0xef: {  	_ = 	snop;
	(pc) =	sbr.rel @p0 .LBB2_1-.Ltmp1, $3  }
0xf0: {  	_ =	sdelay $0x1  }
0xf1: {  	[sflag:s10] =	ssyncset.done $0x0  }
0xf2: {  	[sflag:s10] =	ssyncadd.s32 $0xFFFFE000  }
0xf3: {  	_ =	sfence.sel $0x180000  }
0xf4: {  	[bflag:$0x0] =	sbarrier.arrive $0xFFFF  }
0xf5: {  	_ =	strace $0x90000047  }
0xf6: {  	s0 =	stileid.u32;
	[bflag:$0x2] =	sbarrier.arrive $0xFFFF  }
0xf7: {  	p0 =	sne.s32 s0, $0x0;
	s0 =	rddreg [dreg:$0x2]  }
0xf8: {  	s0 =	sadd.s32 @!p0 $0x100000, s0  }
0xf9: {  	[sflag:s0] =	ssyncadd.tile.s32 @!p0 $0x1;
	_ =	shalt  }
.Lfunc_end2:
_tile_overlayer_lowered:
.L_overlay_start_2:
0xfa: {  	(tag) =	ssettag $0x2  }
0xfb: {  	s0 =	rddreg [dreg:$0x0];
	s2 =	stileid.u32  }
0xfc: {  	s1 =	rddreg [dreg:$0x1];
	p0 =	sne.s32 s2, $0x0  }
0xfd: {  	s3 =	rddreg [dreg:$0x2];
	[bflag:$0x3] =	sbarrier.arrive $0xFFFF;
	s2 =	simm.s32 @!p0 $0x1C11  }
0xfe: {  	[timem:s3], [sflag:s2] =	dma.local @!p0 [hbm:s0], s1  }
0xff: {  	s0 =	simm.s32 @!p0 $0x11  }
0x100: {  	_ =	swait.ge @!p0 [sflag:s0], s1  }
0x101: {  	s1 =	ssub.s32 @!p0 $0x0, s1;
	[sflag:s0] =	ssyncset.done @!p0 $0x0  }
0x102: {  	[sflag:s0] =	ssyncadd.s32 @!p0 s1  }
0x103: {  	[bflag:$0x3] =	sbarrier.arrive $0xFFFF  }
0x104: {  	_ =	shalt  }

// kernel: sparse-core-data-format-call.cloned.1.call-start
scs
called_computation_lowered:
.L_overlay_start_0:
0x0: {  	s2 =	sld [smem:$0x3FD9]  }
0x1: {  	s3 =	sld [smem:$0x3FFE];
	_ =	sdelay $0x1  }
0x2: {  	s1 =	srdreg.scid  }
0x3: {  	s0 =	sand.u32 $0x1, s1  }
0x4: {  	s18 =	sshll.u32 s0, $0xA;
	s2 =	sadd.s32 s3, s2  }
0x5: {  	s2 =	sadd.s32 s2, s18  }
0x6: {  	[smem:$0x3FC6] =	sst s2  }
0x7: {  	_ = 	snop  }
0x8: {  	s2 =	sld [smem:$0x3FD0];
	(tm) =	ssettm $0x1  }
0x9: {  	s19 =	sld [smem:$0x3FFB];
	_ =	sdelay $0x3  }
0xa: {  	_ =	strace s19  }
0xb: {  	s3 =	sld [smem:$0x3FFC];
	_ =	sdelay $0x3  }
0xc: {  	_ =	strace s3  }
0xd: {  	s3 =	sld [smem:$0x3FFD];
	_ =	sdelay $0x3  }
0xe: {  	_ =	strace s3  }
0xf: {  	_ =	strace $0x8FFFFFFF  }
0x10: {  	s20 =	sld [smem:$0x3FDB];
	_ =	sdelay $0x1  }
0x11: {  	s4 =	simm.s32 $_scs_section_size  }
0x12: {  	s5 =	simm.s32 $_size__tile_overlayer_lowered;
	s6 =	simm.s32 $_tile_overlayer_lowered  }
0x13: {  	s23 =	simm.s32 $0x1BFF;
	s22 =	sshll.u32 s6, $0x1;
	s3 =	sadd.s32 s4, s20  }
0x14: {  	s7 =	simm.s32 $0x0;
	s21 =	sshll.u32 s5, $0x1;
	s5 =	sadd.s32 s22, s3  }
0x15: {  	[timem:s7], [sflag:s23] =	dma.local [hbm:s5], s21  }
0x16: {  	_ =	swait.ge [sflag:s23], s21  }
0x17: {  	s4 =	ssub.s32 $0x0, s21;
	[sflag:s23] =	ssyncset.done $0x0  }
0x18: {  	[sflag:s23] =	ssyncadd.s32 s4;
	_ =	sdelay $0x1  }
0x19: {  	s24 =	simm.s32 $0x1B8B  }
0x1a: {  	_ =	swait.ge [sflag:s24], $0x1  }
0x1b: {  	[sflag:s24] =	ssyncset.done $0x0  }
0x1c: {  	s26 =	simm.s32 $0x1B8E;
	s25 =	sld [smem:$0x3FFE];
	[sflag:s24] =	ssyncadd.s32 $0xFFFFFFFF  }
0x1d: {  	s27 =	simm.s32 $execute0_lowered;
	[smem:$0x3FD2] =	sst s26  }
0x1e: {  	s5 =	sshll.u32 s27, $0x1;
	_ =	strace $0x80000049;
	[dreg:$0x1] =	wrdreg $0xFFFFFFFF  }
0x1f: {  	s28 =	simm.s32 $_size_execute0_lowered;
	s3 =	sadd.s32 s3, s5;
	[dreg:$0x0] =	wrdreg $0x0  }
0x20: {  	s5 =	sshll.u32 s28, $0x1;
	[dreg:$0x2] =	wrdreg s3  }
0x21: {  	[dreg:$0x3] =	wrdreg s5  }
0x22: {  	[dreg:$0x4] =	wrdreg $0xC0  }
0x23: {  	_ =	task [dreg:s7], $0x5FFFF  }
0x24: {  	[dreg:$0x1] =	wrdreg $0xFFFFFFFF  }
0x25: {  	[dreg:$0x0] =	wrdreg $0x60  }
0x26: {  	[dreg:$0x2] =	wrdreg s25  }
0x27: {  	[dreg:$0x3] =	wrdreg s2  }
0x28: {  	[dreg:$0x4] =	wrdreg $0x9  }
0x29: {  	_ =	task.clear_ibuf [dreg:s7], $0x5FFFF;
	_ =	strace $0x90000049  }
0x2a: {  	s29 =	simm.s32 $0x9;
	_ =	strace $0x8000004B  }
0x2b: {  	_ =	swait.ge [sflag:s29], $0x1  }
0x2c: {  	[sflag:s29] =	ssyncadd.s32 $0xFFFFFFFF  }
0x2d: {  	_ =	strace $0x9000004B  }
0x2e: {  	_ =	sfence  }
0x2f: {  	s30 =	sld [smem:$0x0];
	_ =	sdelay $0x2  }
0x30: {  	s31 =	sshll.u32 s1, $0xD;
	s1 =	sshrl.u32 s1, $0x2  }
0x31: {  	s3 =	sand.u32 $0x4000, s31;
	s1 =	sadd.s32 s1, s30  }
0x32: {  	s0 =	sor.u32 s3, s0;
	s1 =	sshll.u32 s1, $0x11  }
0x33: {  	s0 =	sor.u32 s1, s0  }
0x34: {  	s0 =	sadd.s32 $0x8F2B, s0  }
0x35: {  	[sflag:s0] =	ssyncadd.remote.s32 $0x1  }
0x36: {  	_ =	sfence.sel $0xFFFF  }
0x37: {  	[dreg:$0x0] =	wrdreg $0xFFFFFFFF;
	(pc) =	sbr.abs _section_cstart, $3  }
0x38: {  	[dreg:$0x1] =	wrdreg $0xFFFFFFFF  }
0x39: {  	_ =	task.clear_ibuf [dreg:s7], $0x2FFFF;
	_ =	strace $0x9FFFFFFF  }
0x3a: {  	(tm) =	ssettm $0x7FFFFFFF  }
0x3b: {  	_ =	shalt  }
tec
execute0_lowered:
.L_overlay_start_1:
0x0: {  	(tag) =	ssettag $0x1  }
0x1: {  	s0 =	srdreg.scid  }
0x2: {  	s1 =	sshll.u32 s0, $0x4  }
0x3: {  	s0 =	stileid.u32;
	s1 =	sand.u32 $0x10, s1  }
0x4: {  	s1 =	sor.u32 s0, s1  }
0x5: {  	s6 =	rddreg [dreg:$0x0];
	s4 =	simm.s32 $0x1;
	s2 =	sshll.u32 s1, $0x7  }
0x6: {  	s7 =	simm.s32 $0x2;
	s12 =	simm.s32 $0x0;
	s1 =	ssub.s32 $0x1000, s2  }
0x7: {  	s8 =	simm.s32 $0x8000;
	s13 =	simm.s32 $0x0;
	s3 =	sand.u32 $0xF80, s1  }
0x8: {  	s9 =	simm.s32 $0x0;
	s5 =	sshrl.u32 s1, $0xC;
	p0 =	sne.s32 s3, $0x0  }
.Ltmp0:
0x9: {  	s1 =	rddreg [dreg:$0x2];
	s4 =	simm.s32 @!p0 $0x0;
	(pc) =	sbr.rel .LBB1_1-.Ltmp0, $4  }
0xa: {  	s11 =	simm.s32 $0x0;
	s3 =	rddreg [dreg:$0x1];
	s5 =	sadd.s32 s4, s5  }
0xb: {  	_ =	strace $0x8000004A;
	s4 =	simm.s32 $0x1;
	s5 =	smul.u32 $0xC8, s5  }
0xc: {  	s6 =	sadd.s32 $0xA00, s6;
	s10 =	smov.u32 s2;
	[sflag:s4] =	ssyncpa.u1 $0x0  }
0xd: {  	p0 =	por $0x0, $0x0;
	[sflag:s7] =	ssyncpa.u1 $0x0;
	s7 =	sor.u32 $0x1, s5  }
.LBB1_4:
0xe: {  	s16 =	sshll.u32 s13, $0x3;
	s17 =	sand.u32 $0x78, s13  }
0xf: {  	s30 =	sand.u32 $0x7E00, s13;
	s12 =	sshll.u32 s12, $0xF;
	s16 =	sand.u32 $0xC00, s16  }
0x10: {  	[tilespmem:s15+$0x810 ss:$0x81] =	vst.msk $0xffff, v2;
	s31 =	sand.u32 $0x7, s13;
	s16 =	sor.u32 s17, s16;
	s17 =	sadd.s32 s3, s30  }
0x11: {  	[tilespmem:s15+$0x1020 ss:$0x81] =	vst.msk $0xffff, v0;
	s13 =	sshll.u32 s31, $0x12;
	s12 =	sadd.s32 s12, s17;
	s16 =	sshrl.u32 s16, $0x3  }
0x12: {  	[tilespmem:s15+$0x0 ss:$0x81] =	vst.msk $0xffff, v1;
	s13 =	sor.u32 $0x400, s13;
	s12 =	sadd.s32 s16, s12  }
0x13: {  	[hbm4b:s12+s13] =	stream.strided.scatter [tilespmem:s14], [sflag:$0x2], $0x2000, s8, s13, $0x20;
	[tilespmem:$0x8080] =	vst v63  }
.LBB1_5:
0x14: {  	s14 =	sadd.s32 $0x1, s9  }
0x15: {  	s12 =	sadd.s32 $0x1000, s10;
	s16 =	smov.u32 s10;
	p2 =	sgt.s32 s14, $0xC7  }
0x16: {  	s16 =	smov.u32 @p2 s12  }
0x17: {  	s14 =	simm.s32 @p2 $0x0;
	p2 =	sgt.s32 s16, $0xFFF  }
0x18: {  	s16 =	smov.u32 @p2 s2;
	p2 =	sne.s32 s11, s7  }
.Ltmp1:
0x19: {  	p1 =	slt.u32 s11, $0x2;
	(pc) =	sbr.rel @!p2 .LBB1_6-.Ltmp1, $4  }
0x1a: {  	s15 =	simm.s32 @!p1 $0x2  }
0x1b: {  	s13 =	smov.u32 s10;
	p0 =	por !p0, !p0;
	_ =	swait.ge @!p1 [sflag:s15], $0x2000  }
0x1c: {  	s12 =	smov.u32 s9;
	[sflag:s15] =	ssyncset.done @!p1 $0x0;
	s9 =	smov.u32 s14  }
0x1d: {  	s11 =	sadd.s32 $0x1, s11;
	[sflag:s15] =	ssyncadd.s32 @!p1 $0xFFFFE000;
	s10 =	smov.u32 s16  }
.LBB1_1:
0x1e: {  	p1 =	sge.u32 s11, s5  }
0x1f: {  	s14 =	sand.u32 @!p1 $0x1FFFFFF, s9  }
0x20: {  	s15 =	smulhi.u32 @!p1 $0x147AE15, s14;
	_ =	sdelay $0x1  }
0x21: {  	s15 =	smul.u32 @!p1 $0xC8, s15  }
0x22: {  	s16 =	sxor.u32 @!p1 $0xFFFFFFFF, s11;
	s17 =	smul.u32 @!p1 $0xC80, s10  }
0x23: {  	s31 =	sadd.s32 $0xFFFFFFFF, s11;
	s16 =	sshll.u32 @!p1 s16, $0xD;
	s14 =	ssub.s32 @!p1 s14, s15  }
0x24: {  	s15 =	sand.u32 @!p1 $0x2000, s16;
	s16 =	sadd.s32 @!p1 s6, s17;
	s14 =	sshll.u32 @!p1 s14, $0x4  }
0x25: {  	s17 =	simm.s32 @!p1 $0x6400;
	s14 =	sadd.s32 @!p1 s14, s16;
	s16 =	simm.s32 @!p1 $0x40  }
0x26: {  	[tilespmem:s15], [sflag:$0x1] =	stream.strided.gather @!p1 [hbm4b:s14+s16], $0x2000, s17, s16, $0x38;
	[tilespmem:$0x8080] =	vst v63  }
0x27: {  	p1 =	sge.u32 s31, s5  }
.Ltmp2:
0x28: {  	_ = 	snop;
	(pc) =	sbr.rel @p1 .LBB1_5-.Ltmp2, $1  }
0x29: {  	_ =	sdelay $0x3  }
0x2a: {  	s14 =	simm.s32 $0x1  }
0x2b: {  	_ =	swait.ge [sflag:s4], $0x2000;
	s14 =	simm.s32 @!p0 $0x0  }
0x2c: {  	[sflag:s4] =	ssyncset.done $0x0;
	s15 =	sshll.u32 s14, $0xD  }
0x2d: {  	[sflag:s4] =	ssyncadd.s32 $0xFFFFE000;
	s18 =	sor.u32 $0x20, s15  }
0x2e: {  	s14 =	smul.u32 $0x8100, s14;
	v3 =	vld [tilespmem:s18+$0x10]  }
0x2f: {  	s30 =	sand.u32 $0x1, s11;
	v2 =	vld [tilespmem:s18+$0xFFFFFFF0]  }
0x30: {  	s15 =	smul.u32 $0x8100, s30;
	s14 =	sshrl.u32 s14, $0x2;
	v0 =	vld [tilespmem:s18+$0x0]  }
0x31: {  	v1 =	vld [tilespmem:s18+$0xFFFFFFE0];
	s16 =	sor.u32 $0x4000, s14  }
0x32: {  	s31 =	sshrl.u32 s15, $0x2;
	s15 =	sadd.s32 $0x0, s16  }
0x33: {  	s17 =	simm.s32 $0x4;
	s18 =	sadd.s32 $0x40, s18;
	s14 =	sor.u32 $0x4000, s31;
	[tilespmem:s15+$0x1830 ss:$0x81] =	vst.msk $0xffff, v3  }
.LBB1_3:
0x34: {  	v3 =	vld [tilespmem:s18+$0x10];
	p1 =	sne.s32 s17, $0x1FC;
	[tilespmem:s15+$0x810 ss:$0x81] =	vst.msk $0xffff, v2;
	s19 =	smov.u32 s17;
	s17 =	sadd.s32 $0x4, s17  }
.Ltmp3:
0x35: {  	v2 =	vld [tilespmem:s18+$0xFFFFFFF0];
	[tilespmem:s15+$0x1020 ss:$0x81] =	vst.msk $0xffff, v0;
	(pc) =	sbr.rel @p1 .LBB1_3-.Ltmp3, $4  }
0x36: {  	v0 =	vld [tilespmem:s18+$0x0];
	[tilespmem:s15+$0x0 ss:$0x81] =	vst.msk $0xffff, v1  }
0x37: {  	s15 =	sshra.s32 s19, $0x2;
	v1 =	vld [tilespmem:s18+$0xFFFFFFE0]  }
0x38: {  	s15 =	sadd.s32 s15, s16  }
0x39: {  	s18 =	sadd.s32 $0x40, s18;
	[tilespmem:s15+$0x1830 ss:$0x81] =	vst.msk $0xffff, v3  }
.Ltmp4:
0x3a: {  	_ = 	snop;
	(pc) =	sbr.rel .LBB1_4-.Ltmp4, $1  }
0x3b: {  	_ =	sdelay $0x3  }
.LBB1_6:
0x3c: {  	_ =	sfence.sel $0x180000  }
0x3d: {  	s2 =	simm.s32 $0x1;
	[bflag:$0x0] =	sbarrier.arrive $0xFFFF  }
0x3e: {  	s31 =	simm.s32 $0x2;
	[sflag:s2] =	ssyncpa.u1 $0x1  }
0x3f: {  	[sflag:s31] =	ssyncpa.u1 $0x1  }
0x40: {  	p0 =	sne.s32 s0, $0x0;
	_ =	strace $0x9000004A  }
0x41: {  	s0 =	sadd.s32 @!p0 $0x100000, s1;
	[bflag:$0x2] =	sbarrier.arrive $0xFFFF  }
0x42: {  	[sflag:s0] =	ssyncadd.tile.s32 @!p0 $0x1;
	_ =	shalt  }
.Lfunc_end1:
_tile_overlayer_lowered:
.L_overlay_start_2:
0x43: {  	(tag) =	ssettag $0x2  }
0x44: {  	s0 =	rddreg [dreg:$0x0];
	s2 =	stileid.u32  }
0x45: {  	s1 =	rddreg [dreg:$0x1];
	p0 =	sne.s32 s2, $0x0  }
0x46: {  	s3 =	rddreg [dreg:$0x2];
	[bflag:$0x3] =	sbarrier.arrive $0xFFFF;
	s2 =	simm.s32 @!p0 $0x1C01  }
0x47: {  	[timem:s3], [sflag:s2] =	dma.local @!p0 [hbm:s0], s1  }
0x48: {  	s0 =	simm.s32 @!p0 $0x1  }
0x49: {  	_ =	swait.ge @!p0 [sflag:s0], s1  }
0x4a: {  	s1 =	ssub.s32 @!p0 $0x0, s1;
	[sflag:s0] =	ssyncset.done @!p0 $0x0  }
0x4b: {  	[sflag:s0] =	ssyncadd.s32 @!p0 s1  }
0x4c: {  	[bflag:$0x3] =	sbarrier.arrive $0xFFFF  }
0x4d: {  	_ =	shalt  }

</sc_bundles>
